<compile_context>
chip_gen: v7x
topology: tpu7x:2x2x1
jax: 0.10.2.dev20260603
libtpu: 0.0.44.dev20260713+nightly
codegen_flags: <defaults>
</compile_context>

<pallas_src>
import functools

import jax
import jax.numpy as jnp
from jax import lax
from jax.experimental import pallas as pl
from jax.experimental.pallas import tpu as pltpu
from jax.experimental.pallas import tpu_sc as plsc

B = 16384
F_CAT = 26
F_REAL = 13
V = 100000
D = 32
F_TOT = F_CAT + F_REAL
FP = 40
DP = 128

NC = 2
NS = 16
NW = NC * NS
BPW = B // NW
GCH = 128
NCH = BPW // GCH
NK = F_CAT * NCH


def _sc_gather_body(uc_hbm, tab_hbm, out_hbm, idx2_v, idxs_v, gbuf_v, gsem, osem):
    c = lax.axis_index("c")
    s = lax.axis_index("s")
    wid = s * NC + c
    base = wid * BPW
    pltpu.sync_copy(uc_hbm.at[pl.ds(base, BPW)], idx2_v)

    lanes = lax.broadcasted_iota(jnp.int32, (16,), 0)
    zeros = jnp.zeros((16,), jnp.int32)

    def ext_body(t, _):
        f = t // (BPW // 16)
        j = t % (BPW // 16)
        rows = lanes + j * 16
        fcol = zeros + f
        v = plsc.load_gather(idx2_v, [rows, fcol])
        idxs_v[f, pl.ds(j * 16, 16)] = v + f * V
        return 0

    lax.fori_loop(0, F_CAT * (BPW // 16), ext_body, 0)

    def issue_gather(k):
        f = k // NCH
        ch = k - f * NCH
        pltpu.async_copy(
            tab_hbm.at[idxs_v.at[f, pl.ds(ch * GCH, GCH)]],
            gbuf_v.at[k & 1],
            gsem,
        )

    def wait_gather(k):
        pltpu.make_async_copy(
            tab_hbm.at[idxs_v.at[0, pl.ds(0, GCH)]], gbuf_v.at[k & 1], gsem
        ).wait()

    def out_slice(k):
        f = k // NCH
        ch = k - f * NCH
        return out_hbm.at[pl.ds(base + ch * GCH, GCH), f, pl.ds(0, D)]

    def issue_out(k):
        pltpu.async_copy(gbuf_v.at[k & 1], out_slice(k), osem)

    def wait_out(k):
        pltpu.make_async_copy(gbuf_v.at[k & 1], out_slice(k), osem).wait()

    def pipe_body(k, _):
        @pl.when(k >= 2)
        def _():
            wait_out(k - 2)

        issue_gather(k)

        @pl.when(k >= 1)
        def _():
            wait_gather(k - 1)
            issue_out(k - 1)

        return 0

    lax.fori_loop(0, NK, pipe_body, 0)
    wait_gather(NK - 1)
    issue_out(NK - 1)
    wait_out(NK - 2)
    wait_out(NK - 1)


_sc_gather = functools.partial(
    pl.kernel,
    out_type=jax.ShapeDtypeStruct((B, FP, DP), jnp.float32),
    mesh=plsc.VectorSubcoreMesh(core_axis_name="c", subcore_axis_name="s"),
    scratch_types=[
        pltpu.VMEM((BPW, F_CAT), jnp.int32),
        pltpu.VMEM((F_CAT, BPW), jnp.int32),
        pltpu.VMEM((2, GCH, D), jnp.float32),
        pltpu.SemaphoreType.DMA,
        pltpu.SemaphoreType.DMA,
    ],
    compiler_params=pltpu.CompilerParams(
        use_tc_tiling_on_sc=False, needs_layout_passes=False
    ),
)(_sc_gather_body)


def _tc_sweep_body(x_ref, w_ref, b_ref, g_ref, be_ref, t_ref, io_ref, out_ref):
    io = io_ref[...]
    t128 = t_ref[...]
    cat = io[:, :F_CAT, :] + t128[None, :F_CAT, :]
    x = x_ref[...]
    w = w_ref[...]
    b = b_ref[...]
    h = x[:, :, None] * w[None] + b[None]
    mu = jnp.mean(h, axis=-1, keepdims=True)
    var = jnp.mean((h - mu) * (h - mu), axis=-1, keepdims=True)
    h = (h - mu) * lax.rsqrt(var + 1e-5)
    h = h * g_ref[...][None] + be_ref[...][None]
    h = jnp.maximum(h, 0.0)
    real = h + t128[None, F_CAT:F_TOT, :D]
    real128 = jnp.concatenate(
        [real, jnp.zeros((real.shape[0], F_REAL, DP - D), jnp.float32)], axis=-1)
    out_ref[...] = jnp.concatenate(
        [cat, real128, io[:, F_TOT:, :]], axis=1)


BBLK = 256


def _tc_sweep(ur, real_w, real_b, ln_gamma, ln_beta, t128, combined):
    return pl.pallas_call(
        _tc_sweep_body,
        out_shape=jax.ShapeDtypeStruct((B, FP, DP), jnp.float32),
        grid=(B // BBLK,),
        in_specs=[
            pl.BlockSpec((BBLK, F_REAL), lambda i: (i, 0)),
            pl.BlockSpec((F_REAL, D), lambda i: (0, 0)),
            pl.BlockSpec((F_REAL, D), lambda i: (0, 0)),
            pl.BlockSpec((F_REAL, D), lambda i: (0, 0)),
            pl.BlockSpec((F_REAL, D), lambda i: (0, 0)),
            pl.BlockSpec((FP, DP), lambda i: (0, 0)),
            pl.BlockSpec((BBLK, FP, DP), lambda i: (i, 0, 0)),
        ],
        out_specs=pl.BlockSpec((BBLK, FP, DP), lambda i: (i, 0, 0)),
        input_output_aliases={6: 0},
    )(ur, real_w, real_b, ln_gamma, ln_beta, t128, combined)


def kernel(user_categoricals, user_reals, cat_tables, type_emb, real_w, real_b,
           ln_gamma, ln_beta):
    tab2 = cat_tables.reshape(F_CAT * V, D)
    combined = _sc_gather(user_categoricals, tab2)
    t128 = jnp.pad(type_emb, ((0, FP - F_TOT), (0, DP - D)))
    swept = _tc_sweep(user_reals, real_w, real_b, ln_gamma, ln_beta,
                      t128, combined)
    return swept[:, :F_TOT, :D]

# --- scband reference (transcript-rebuilt; emitter-appended) ---
"""Pipeline reference for scband-user-encoder-89979564851759 (READ-ONLY COPY).

The authoritative reference and input builder live on the scoring server;
editing this copy changes nothing except your own understanding.
"""

import jax, jax.numpy as jnp
import numpy as np

B = 16384
F_CAT = 26
F_REAL = 13
V = 100000
D = 32
F_TOT = F_CAT + F_REAL

def setup_inputs(seed: int = 0):
    key = jax.random.key(seed)
    ks = jax.random.split(key, 9)
    user_categoricals = jax.random.randint(ks[0], (B, F_CAT), 0, V, dtype=jnp.int32)
    user_reals = jax.random.normal(ks[1], (B, F_REAL), dtype=jnp.float32)
    # all 26 categorical vocabs are identical (100000), so stack tables as [F_CAT, V, D]
    cat_tables = jax.random.normal(ks[2], (F_CAT, V, D), dtype=jnp.float32) * 0.02
    type_emb = jax.random.normal(ks[3], (F_TOT, D), dtype=jnp.float32) * 0.02
    # real projections: Linear(1, D) per real feature -> weight [F_REAL, D], bias [F_REAL, D]
    real_w = jax.random.normal(ks[4], (F_REAL, D), dtype=jnp.float32) * 0.1
    real_b = jnp.zeros((F_REAL, D), dtype=jnp.float32)
    ln_gamma = jnp.ones((F_REAL, D), dtype=jnp.float32)
    ln_beta = jnp.zeros((F_REAL, D), dtype=jnp.float32)
    return {'user_categoricals': user_categoricals, 'user_reals': user_reals,
            'cat_tables': cat_tables, 'type_emb': type_emb,
            'real_w': real_w, 'real_b': real_b,
            'ln_gamma': ln_gamma, 'ln_beta': ln_beta}

def reference(user_categoricals, user_reals, cat_tables, type_emb, real_w, real_b, ln_gamma, ln_beta):
    # categorical embedding lookups: per-field gather from its own table
    field_ids = jnp.arange(F_CAT)[None, :]                      # [1, F_CAT]
    cat_emb = cat_tables[field_ids, user_categoricals]          # [B, F_CAT, D]
    cat_emb = cat_emb + type_emb[None, :F_CAT, :]
    # real projections: Linear(1, D) -> LayerNorm -> ReLU (dropout_rate=0.0 => identity)
    h = user_reals[:, :, None] * real_w[None, :, :] + real_b[None, :, :]   # [B, F_REAL, D]
    mu = jnp.mean(h, axis=-1, keepdims=True)
    var = jnp.var(h, axis=-1, keepdims=True)
    h = (h - mu) / jnp.sqrt(var + 1e-5)
    h = h * ln_gamma[None, :, :] + ln_beta[None, :, :]
    h = jax.nn.relu(h)
    real_emb = h + type_emb[None, F_CAT:, :]                    # [B, F_REAL, D]
    combined = jnp.concatenate([cat_emb, real_emb], axis=1)     # [B, F_TOT, D]
    return combined

if __name__ == "__main__":
    import jax
    _d = setup_inputs()
    print(jax.jit(kernel)(*tuple(_d.values())))

</pallas_src>

<mosaic_0001>
#map = affine_map<(d0, d1) -> (0, 0)>
#map1 = affine_map<(d0, d1) -> (0, 0, 0)>
module attributes {stable_mosaic.version = 14 : i64} {
  func.func @_sc_gather_body(%arg0: i32, %arg1: i32, %arg2: memref<16384x26xi32, #tpu.memory_space<hbm>>, %arg3: memref<2600000x32xf32, #tpu.memory_space<hbm>>, %arg4: memref<16384x40x128xf32, #tpu.memory_space<hbm>>, %arg5: memref<512x26xi32, #tpu.memory_space<vmem>>, %arg6: memref<26x512xi32, #tpu.memory_space<vmem>>, %arg7: memref<2x128x32xf32, #tpu.memory_space<vmem>>, %arg8: memref<!tpu.dma_semaphore, #tpu.memory_space<semaphore_mem>>, %arg9: memref<!tpu.dma_semaphore, #tpu.memory_space<semaphore_mem>>) attributes {dimension_semantics = [#tpu.dimension_semantics<core_parallel>, #tpu.dimension_semantics<subcore_parallel>], iteration_bounds = array<i64: 2, 16>, scalar_prefetch = 0 : i64, scratch_operands = 5 : i64, tpu.core_type = #tpu.core_type<sc_vector_subcore>, window_params = [{transform_indices = #map}, {transform_indices = #map}, {transform_indices = #map1}]} {
    %mul3A = arith.constant 2 : i32
    %mul3A_0 = arith.muli %arg1, %mul3A : i32
    %add3A = arith.addi %mul3A_0, %arg0 : i32
    %mul3A_1 = arith.constant 512 : i32
    %mul3A_2 = arith.muli %add3A, %mul3A_1 : i32
    "tpu.region"() ({
      %run_scoped3A = tpu.sem_alloc : memref<!tpu.dma_semaphore, #tpu.memory_space<semaphore_mem>>
      %dma_start3A_81 = arith.constant 0 : i32
      %dma_start3A_82 = tpu.memref_slice %arg2[%mul3A_2, %dma_start3A_81] : memref<16384x26xi32, #tpu.memory_space<hbm>> -> memref<512x26xi32, #tpu.memory_space<hbm>>
      %dma_start3A_83 = arith.constant 0 : i32
      %dma_start3A_84 = tpu.memref_slice %arg2[%mul3A_2, %dma_start3A_83] : memref<16384x26xi32, #tpu.memory_space<hbm>> -> memref<512x26xi32, #tpu.memory_space<hbm>>
      tpu.enqueue_dma source(%dma_start3A_84 : memref<512x26xi32, #tpu.memory_space<hbm>>) target(%arg5 : memref<512x26xi32, #tpu.memory_space<vmem>>) target_semaphore(%run_scoped3A : memref<!tpu.dma_semaphore, #tpu.memory_space<semaphore_mem>>)
      %dma_wait3A_85 = arith.constant 0 : i32
      %dma_wait3A_86 = tpu.memref_slice %arg2[%mul3A_2, %dma_wait3A_85] : memref<16384x26xi32, #tpu.memory_space<hbm>> -> memref<512x26xi32, #tpu.memory_space<hbm>>
      %dma_wait3A_87 = arith.constant 0 : i32
      %dma_wait3A_88 = tpu.memref_slice %arg2[%mul3A_2, %dma_wait3A_87] : memref<16384x26xi32, #tpu.memory_space<hbm>> -> memref<512x26xi32, #tpu.memory_space<hbm>>
      tpu.wait_dma2 semaphore(%run_scoped3A : memref<!tpu.dma_semaphore, #tpu.memory_space<semaphore_mem>>) src(%dma_wait3A_88 : memref<512x26xi32, #tpu.memory_space<hbm>>) dst(%arg5 : memref<512x26xi32, #tpu.memory_space<vmem>>)
      tpu.yield
    }) : () -> ()
    %iota3A = tpu.iota {dimensions = array<i32: 0>} : vector<16xi32>
    %broadcast_in_dim3A = arith.constant 0 : i32
    %broadcast_in_dim3A_3 = vector.broadcast %broadcast_in_dim3A : i32 to vector<16xi32>
    %scan3A = arith.constant 0 : i32
    %scan3A_4 = arith.constant 0 : i32
    %scan3A_5 = arith.constant 832 : i32
    %scan3A_6 = arith.addi %scan3A_4, %scan3A_5 : i32
    %scan3A_7 = arith.constant 1 : i32
    %scan3A_8 = scf.for %scan3A_81 = %scan3A_4 to %scan3A_6 step %scan3A_7 iter_args(%scan3A_82 = %scan3A) -> (i32)  : i32 {
      %jit3A = arith.constant 32 : i32
      %div3A = arith.divsi %scan3A_81, %jit3A : i32
      %sign3A = arith.constant 0 : i32
      %sign3A_83 = arith.cmpi sgt, %scan3A_81, %sign3A : i32
      %sign3A_84 = arith.extui %sign3A_83 : i1 to i32
      %sign3A_85 = arith.constant 0 : i32
      %sign3A_86 = arith.cmpi slt, %scan3A_81, %sign3A_85 : i32
      %sign3A_87 = arith.extui %sign3A_86 : i1 to i32
      %sign3A_88 = arith.subi %sign3A_84, %sign3A_87 : i32
      %sign3A_89 = arith.constant 0 : i32
      %sign3A_90 = arith.cmpi sgt, %jit3A, %sign3A_89 : i32
      %sign3A_91 = arith.extui %sign3A_90 : i1 to i32
      %sign3A_92 = arith.constant 0 : i32
      %sign3A_93 = arith.cmpi slt, %jit3A, %sign3A_92 : i32
      %sign3A_94 = arith.extui %sign3A_93 : i1 to i32
      %sign3A_95 = arith.subi %sign3A_91, %sign3A_94 : i32
      %ne3A = arith.cmpi ne, %sign3A_88, %sign3A_95 : i32
      %rem3A = arith.remsi %scan3A_81, %jit3A : i32
      %ne3A_96 = arith.constant 0 : i32
      %ne3A_97 = arith.cmpi ne, %rem3A, %ne3A_96 : i32
      %and3A = arith.andi %ne3A, %ne3A_97 : i1
      %sub3A = arith.constant 1 : i32
      %sub3A_98 = arith.subi %div3A, %sub3A : i32
      %select_n3A = arith.select %and3A, %sub3A_98, %div3A : i32
      %jit3A_99 = arith.constant 32 : i32
      %eq3A = arith.constant 0 : i32
      %eq3A_100 = arith.cmpi eq, %jit3A_99, %eq3A : i32
      %jit3A_101 = arith.constant 1 : i32
      %select_n3A_102 = arith.select %eq3A_100, %jit3A_101, %jit3A_99 : i32
      %rem3A_103 = arith.remsi %scan3A_81, %select_n3A_102 : i32
      %ne3A_104 = arith.constant 0 : i32
      %ne3A_105 = arith.cmpi ne, %rem3A_103, %ne3A_104 : i32
      %lt3A = arith.constant 0 : i32
      %lt3A_106 = arith.cmpi slt, %rem3A_103, %lt3A : i32
      %lt3A_107 = arith.constant 0 : i32
      %lt3A_108 = arith.cmpi slt, %select_n3A_102, %lt3A_107 : i32
      %ne3A_109 = arith.xori %lt3A_106, %lt3A_108 : i1
      %and3A_110 = arith.andi %ne3A_109, %ne3A_105 : i1
      %add3A_111 = arith.addi %rem3A_103, %select_n3A_102 : i32
      %select_n3A_112 = arith.select %and3A_110, %add3A_111, %rem3A_103 : i32
      %mul3A_113 = arith.constant 16 : i32
      %mul3A_114 = arith.muli %select_n3A_112, %mul3A_113 : i32
      %add3A_115 = vector.broadcast %mul3A_114 : i32 to vector<16xi32>
      %add3A_116 = arith.addi %iota3A, %add3A_115 : vector<16xi32>
      %add3A_117 = vector.broadcast %select_n3A : i32 to vector<16xi32>
      %add3A_118 = arith.addi %broadcast_in_dim3A_3, %add3A_117 : vector<16xi32>
      %gather3A = tpu.vector_load_idx %arg5[%add3A_116, %add3A_118] : memref<512x26xi32, #tpu.memory_space<vmem>>[vector<16xi32>, vector<16xi32>], vector<16xi32>,
      %mul3A_119 = arith.constant 100000 : i32
      %mul3A_120 = arith.muli %select_n3A, %mul3A_119 : i32
      %add3A_121 = vector.broadcast %mul3A_120 : i32 to vector<16xi32>
      %add3A_122 = arith.addi %gather3A, %add3A_121 : vector<16xi32>
      %mul3A_123 = arith.constant 16 : i32
      %mul3A_124 = arith.muli %select_n3A_112, %mul3A_123 : i32
      %swap3A = arith.index_cast %select_n3A : i32 to index
      %swap3A_125 = arith.index_cast %mul3A_124 : i32 to index
      %swap3A_126 = tpu.vector_load %arg6[%swap3A, %swap3A_125] {strides = array<i32>} : memref<26x512xi32, #tpu.memory_space<vmem>>, vector<16xi32>,
      tpu.vector_store %arg6[%swap3A, %swap3A_125], %add3A_122 {strides = array<i32>} : memref<26x512xi32, #tpu.memory_space<vmem>>, vector<16xi32>,
      %scan3A_127 = arith.constant 0 : i32
      scf.yield %scan3A_127 : i32
    }
    %scan3A_9 = arith.constant 832 : i32
    %scan3A_10 = arith.constant 0 : i32
    %scan3A_11 = arith.constant 0 : i32
    %scan3A_12 = arith.constant 104 : i32
    %scan3A_13 = arith.addi %scan3A_11, %scan3A_12 : i32
    %scan3A_14 = arith.constant 1 : i32
    %scan3A_15 = scf.for %scan3A_81 = %scan3A_11 to %scan3A_13 step %scan3A_14 iter_args(%scan3A_82 = %scan3A_10) -> (i32)  : i32 {
      %ge3A = arith.constant 2 : i32
      %ge3A_83 = arith.cmpi sge, %scan3A_81, %ge3A : i32
      %convert_element_type3A = arith.extui %ge3A_83 : i1 to i32
      %cond3A = arith.constant 0 : i32
      %cond3A_84 = arith.cmpi ne, %convert_element_type3A, %cond3A : i32
      scf.if %cond3A_84 {
        %sub3A_123 = arith.constant 2 : i32
        %sub3A_124 = arith.subi %scan3A_81, %sub3A_123 : i32
        %and3A_125 = arith.constant 1 : i32
        %and3A_126 = arith.andi %sub3A_124, %and3A_125 : i32
        %jit3A_127 = arith.constant 4 : i32
        %div3A_128 = arith.divsi %sub3A_124, %jit3A_127 : i32
        %sign3A_129 = arith.constant 0 : i32
        %sign3A_130 = arith.cmpi sgt, %sub3A_124, %sign3A_129 : i32
        %sign3A_131 = arith.extui %sign3A_130 : i1 to i32
        %sign3A_132 = arith.constant 0 : i32
        %sign3A_133 = arith.cmpi slt, %sub3A_124, %sign3A_132 : i32
        %sign3A_134 = arith.extui %sign3A_133 : i1 to i32
        %sign3A_135 = arith.subi %sign3A_131, %sign3A_134 : i32
        %sign3A_136 = arith.constant 0 : i32
        %sign3A_137 = arith.cmpi sgt, %jit3A_127, %sign3A_136 : i32
        %sign3A_138 = arith.extui %sign3A_137 : i1 to i32
        %sign3A_139 = arith.constant 0 : i32
        %sign3A_140 = arith.cmpi slt, %jit3A_127, %sign3A_139 : i32
        %sign3A_141 = arith.extui %sign3A_140 : i1 to i32
        %sign3A_142 = arith.subi %sign3A_138, %sign3A_141 : i32
        %ne3A_143 = arith.cmpi ne, %sign3A_135, %sign3A_142 : i32
        %rem3A_144 = arith.remsi %sub3A_124, %jit3A_127 : i32
        %ne3A_145 = arith.constant 0 : i32
        %ne3A_146 = arith.cmpi ne, %rem3A_144, %ne3A_145 : i32
        %and3A_147 = arith.andi %ne3A_143, %ne3A_146 : i1
        %sub3A_148 = arith.constant 1 : i32
        %sub3A_149 = arith.subi %div3A_128, %sub3A_148 : i32
        %select_n3A_150 = arith.select %and3A_147, %sub3A_149, %div3A_128 : i32
        %mul3A_151 = arith.constant 4 : i32
        %mul3A_152 = arith.muli %select_n3A_150, %mul3A_151 : i32
        %sub3A_153 = arith.subi %sub3A_124, %mul3A_152 : i32
        %mul3A_154 = arith.constant 128 : i32
        %mul3A_155 = arith.muli %sub3A_153, %mul3A_154 : i32
        %add3A_156 = arith.addi %mul3A_2, %mul3A_155 : i32
        %dma_wait3A_157 = arith.constant 0 : i32
        %dma_wait3A_158 = arith.constant 0 : i32
        %dma_wait3A_159 = tpu.memref_slice %arg7[%and3A_126, %dma_wait3A_157, %dma_wait3A_158] : memref<2x128x32xf32, #tpu.memory_space<vmem>> -> memref<1x128x32xf32, #tpu.memory_space<vmem>>
        %dma_wait3A_160 = tpu.memref_squeeze %dma_wait3A_159 : memref<1x128x32xf32, #tpu.memory_space<vmem>> -> memref<128x32xf32, #tpu.memory_space<vmem>>
        %dma_wait3A_161 = arith.constant 0 : i32
        %dma_wait3A_162 = tpu.memref_slice %arg4[%add3A_156, %select_n3A_150, %dma_wait3A_161] : memref<16384x40x128xf32, #tpu.memory_space<hbm>> -> memref<128x1x32xf32, #tpu.memory_space<hbm>>
        %dma_wait3A_163 = tpu.memref_squeeze %dma_wait3A_162 : memref<128x1x32xf32, #tpu.memory_space<hbm>> -> memref<128x32xf32, #tpu.memory_space<hbm>>
        %dma_wait3A_164 = arith.constant 0 : i32
        %dma_wait3A_165 = tpu.memref_slice %arg4[%add3A_156, %select_n3A_150, %dma_wait3A_164] : memref<16384x40x128xf32, #tpu.memory_space<hbm>> -> memref<128x1x32xf32, #tpu.memory_space<hbm>>
        %dma_wait3A_166 = tpu.memref_squeeze %dma_wait3A_165 : memref<128x1x32xf32, #tpu.memory_space<hbm>> -> memref<128x32xf32, #tpu.memory_space<hbm>>
        %dma_wait3A_167 = arith.constant 0 : i32
        %dma_wait3A_168 = arith.constant 0 : i32
        %dma_wait3A_169 = tpu.memref_slice %arg7[%and3A_126, %dma_wait3A_167, %dma_wait3A_168] : memref<2x128x32xf32, #tpu.memory_space<vmem>> -> memref<1x128x32xf32, #tpu.memory_space<vmem>>
        %dma_wait3A_170 = tpu.memref_squeeze %dma_wait3A_169 : memref<1x128x32xf32, #tpu.memory_space<vmem>> -> memref<128x32xf32, #tpu.memory_space<vmem>>
        tpu.wait_dma2 semaphore(%arg9 : memref<!tpu.dma_semaphore, #tpu.memory_space<semaphore_mem>>) src(%dma_wait3A_170 : memref<128x32xf32, #tpu.memory_space<vmem>>) dst(%dma_wait3A_166 : memref<128x32xf32, #tpu.memory_space<hbm>>)
      } else {
      }
      %jit3A = arith.constant 4 : i32
      %div3A = arith.divsi %scan3A_81, %jit3A : i32
      %sign3A = arith.constant 0 : i32
      %sign3A_85 = arith.cmpi sgt, %scan3A_81, %sign3A : i32
      %sign3A_86 = arith.extui %sign3A_85 : i1 to i32
      %sign3A_87 = arith.constant 0 : i32
      %sign3A_88 = arith.cmpi slt, %scan3A_81, %sign3A_87 : i32
      %sign3A_89 = arith.extui %sign3A_88 : i1 to i32
      %sign3A_90 = arith.subi %sign3A_86, %sign3A_89 : i32
      %sign3A_91 = arith.constant 0 : i32
      %sign3A_92 = arith.cmpi sgt, %jit3A, %sign3A_91 : i32
      %sign3A_93 = arith.extui %sign3A_92 : i1 to i32
      %sign3A_94 = arith.constant 0 : i32
      %sign3A_95 = arith.cmpi slt, %jit3A, %sign3A_94 : i32
      %sign3A_96 = arith.extui %sign3A_95 : i1 to i32
      %sign3A_97 = arith.subi %sign3A_93, %sign3A_96 : i32
      %ne3A = arith.cmpi ne, %sign3A_90, %sign3A_97 : i32
      %rem3A = arith.remsi %scan3A_81, %jit3A : i32
      %ne3A_98 = arith.constant 0 : i32
      %ne3A_99 = arith.cmpi ne, %rem3A, %ne3A_98 : i32
      %and3A = arith.andi %ne3A, %ne3A_99 : i1
      %sub3A = arith.constant 1 : i32
      %sub3A_100 = arith.subi %div3A, %sub3A : i32
      %select_n3A = arith.select %and3A, %sub3A_100, %div3A : i32
      %mul3A_101 = arith.constant 4 : i32
      %mul3A_102 = arith.muli %select_n3A, %mul3A_101 : i32
      %sub3A_103 = arith.subi %scan3A_81, %mul3A_102 : i32
      %mul3A_104 = arith.constant 128 : i32
      %mul3A_105 = arith.muli %sub3A_103, %mul3A_104 : i32
      %and3A_106 = arith.constant 1 : i32
      %and3A_107 = arith.andi %scan3A_81, %and3A_106 : i32
      %dma_start3A_108 = arith.constant 0 : i32
      %dma_start3A_109 = arith.constant 0 : i32
      %dma_start3A_110 = tpu.memref_slice %arg7[%and3A_107, %dma_start3A_108, %dma_start3A_109] : memref<2x128x32xf32, #tpu.memory_space<vmem>> -> memref<1x128x32xf32, #tpu.memory_space<vmem>>
      %dma_start3A_111 = tpu.memref_squeeze %dma_start3A_110 : memref<1x128x32xf32, #tpu.memory_space<vmem>> -> memref<128x32xf32, #tpu.memory_space<vmem>>
      %dma_start3A_112 = tpu.memref_slice %arg6[%select_n3A, %mul3A_105] : memref<26x512xi32, #tpu.memory_space<vmem>> -> memref<1x128xi32, #tpu.memory_space<vmem>>
      %dma_start3A_113 = tpu.memref_squeeze %dma_start3A_112 : memref<1x128xi32, #tpu.memory_space<vmem>> -> memref<128xi32, #tpu.memory_space<vmem>>
      %dma_start3A_114 = arith.constant 0 : i32
      %dma_start3A_115 = arith.constant 0 : i32
      %dma_start3A_116 = tpu.memref_slice %arg3[%dma_start3A_114, %dma_start3A_115] : memref<2600000x32xf32, #tpu.memory_space<hbm>> -> memref<2600000x32xf32, #tpu.memory_space<hbm>>
      tpu.enqueue_indirect_dma source(%dma_start3A_116 : memref<2600000x32xf32, #tpu.memory_space<hbm>>) target(%dma_start3A_111 : memref<128x32xf32, #tpu.memory_space<vmem>>) offsets(%dma_start3A_113 : memref<128xi32, #tpu.memory_space<vmem>>) semaphore(%arg8 : memref<!tpu.dma_semaphore, #tpu.memory_space<semaphore_mem>>)
      %ge3A_117 = arith.constant 1 : i32
      %ge3A_118 = arith.cmpi sge, %scan3A_81, %ge3A_117 : i32
      %convert_element_type3A_119 = arith.extui %ge3A_118 : i1 to i32
      %cond3A_120 = arith.constant 0 : i32
      %cond3A_121 = arith.cmpi ne, %convert_element_type3A_119, %cond3A_120 : i32
      scf.if %cond3A_121 {
        %sub3A_123 = arith.constant 1 : i32
        %sub3A_124 = arith.subi %scan3A_81, %sub3A_123 : i32
        %and3A_125 = arith.constant 1 : i32
        %and3A_126 = arith.andi %sub3A_124, %and3A_125 : i32
        %dma_wait3A_127 = arith.constant 0 : i32
        %dma_wait3A_128 = arith.constant 0 : i32
        %dma_wait3A_129 = arith.constant 0 : i32
        %dma_wait3A_130 = tpu.memref_slice %arg7[%and3A_126, %dma_wait3A_128, %dma_wait3A_129] : memref<2x128x32xf32, #tpu.memory_space<vmem>> -> memref<1x128x32xf32, #tpu.memory_space<vmem>>
        %dma_wait3A_131 = tpu.memref_squeeze %dma_wait3A_130 : memref<1x128x32xf32, #tpu.memory_space<vmem>> -> memref<128x32xf32, #tpu.memory_space<vmem>>
        %dma_wait3A_132 = arith.constant 0 : i32
        %dma_wait3A_133 = tpu.memref_slice %arg6[%dma_wait3A_127, %dma_wait3A_132] : memref<26x512xi32, #tpu.memory_space<vmem>> -> memref<1x128xi32, #tpu.memory_space<vmem>>
        %dma_wait3A_134 = tpu.memref_squeeze %dma_wait3A_133 : memref<1x128xi32, #tpu.memory_space<vmem>> -> memref<128xi32, #tpu.memory_space<vmem>>
        %dma_wait3A_135 = arith.constant 0 : i32
        %dma_wait3A_136 = arith.constant 0 : i32
        %dma_wait3A_137 = tpu.memref_slice %arg3[%dma_wait3A_135, %dma_wait3A_136] : memref<2600000x32xf32, #tpu.memory_space<hbm>> -> memref<2600000x32xf32, #tpu.memory_space<hbm>>
        tpu.wait_indirect_dma semaphore(%arg8 : memref<!tpu.dma_semaphore, #tpu.memory_space<semaphore_mem>>) src(%dma_wait3A_137 : memref<2600000x32xf32, #tpu.memory_space<hbm>>) dst(%dma_wait3A_131 : memref<128x32xf32, #tpu.memory_space<vmem>>)
        %sub3A_138 = arith.constant 1 : i32
        %sub3A_139 = arith.subi %scan3A_81, %sub3A_138 : i32
        %and3A_140 = arith.constant 1 : i32
        %and3A_141 = arith.andi %sub3A_139, %and3A_140 : i32
        %jit3A_142 = arith.constant 4 : i32
        %div3A_143 = arith.divsi %sub3A_139, %jit3A_142 : i32
        %sign3A_144 = arith.constant 0 : i32
        %sign3A_145 = arith.cmpi sgt, %sub3A_139, %sign3A_144 : i32
        %sign3A_146 = arith.extui %sign3A_145 : i1 to i32
        %sign3A_147 = arith.constant 0 : i32
        %sign3A_148 = arith.cmpi slt, %sub3A_139, %sign3A_147 : i32
        %sign3A_149 = arith.extui %sign3A_148 : i1 to i32
        %sign3A_150 = arith.subi %sign3A_146, %sign3A_149 : i32
        %sign3A_151 = arith.constant 0 : i32
        %sign3A_152 = arith.cmpi sgt, %jit3A_142, %sign3A_151 : i32
        %sign3A_153 = arith.extui %sign3A_152 : i1 to i32
        %sign3A_154 = arith.constant 0 : i32
        %sign3A_155 = arith.cmpi slt, %jit3A_142, %sign3A_154 : i32
        %sign3A_156 = arith.extui %sign3A_155 : i1 to i32
        %sign3A_157 = arith.subi %sign3A_153, %sign3A_156 : i32
        %ne3A_158 = arith.cmpi ne, %sign3A_150, %sign3A_157 : i32
        %rem3A_159 = arith.remsi %sub3A_139, %jit3A_142 : i32
        %ne3A_160 = arith.constant 0 : i32
        %ne3A_161 = arith.cmpi ne, %rem3A_159, %ne3A_160 : i32
        %and3A_162 = arith.andi %ne3A_158, %ne3A_161 : i1
        %sub3A_163 = arith.constant 1 : i32
        %sub3A_164 = arith.subi %div3A_143, %sub3A_163 : i32
        %select_n3A_165 = arith.select %and3A_162, %sub3A_164, %div3A_143 : i32
        %mul3A_166 = arith.constant 4 : i32
        %mul3A_167 = arith.muli %select_n3A_165, %mul3A_166 : i32
        %sub3A_168 = arith.subi %sub3A_139, %mul3A_167 : i32
        %mul3A_169 = arith.constant 128 : i32
        %mul3A_170 = arith.muli %sub3A_168, %mul3A_169 : i32
        %add3A_171 = arith.addi %mul3A_2, %mul3A_170 : i32
        %dma_start3A_172 = arith.constant 0 : i32
        %dma_start3A_173 = arith.constant 0 : i32
        %dma_start3A_174 = tpu.memref_slice %arg7[%and3A_141, %dma_start3A_172, %dma_start3A_173] : memref<2x128x32xf32, #tpu.memory_space<vmem>> -> memref<1x128x32xf32, #tpu.memory_space<vmem>>
        %dma_start3A_175 = tpu.memref_squeeze %dma_start3A_174 : memref<1x128x32xf32, #tpu.memory_space<vmem>> -> memref<128x32xf32, #tpu.memory_space<vmem>>
        %dma_start3A_176 = arith.constant 0 : i32
        %dma_start3A_177 = tpu.memref_slice %arg4[%add3A_171, %select_n3A_165, %dma_start3A_176] : memref<16384x40x128xf32, #tpu.memory_space<hbm>> -> memref<128x1x32xf32, #tpu.memory_space<hbm>>
        %dma_start3A_178 = tpu.memref_squeeze %dma_start3A_177 : memref<128x1x32xf32, #tpu.memory_space<hbm>> -> memref<128x32xf32, #tpu.memory_space<hbm>>
        %dma_start3A_179 = arith.constant 0 : i32
        %dma_start3A_180 = tpu.memref_slice %arg4[%add3A_171, %select_n3A_165, %dma_start3A_179] : memref<16384x40x128xf32, #tpu.memory_space<hbm>> -> memref<128x1x32xf32, #tpu.memory_space<hbm>>
        %dma_start3A_181 = tpu.memref_squeeze %dma_start3A_180 : memref<128x1x32xf32, #tpu.memory_space<hbm>> -> memref<128x32xf32, #tpu.memory_space<hbm>>
        %dma_start3A_182 = arith.constant 0 : i32
        %dma_start3A_183 = arith.constant 0 : i32
        %dma_start3A_184 = tpu.memref_slice %arg7[%and3A_141, %dma_start3A_182, %dma_start3A_183] : memref<2x128x32xf32, #tpu.memory_space<vmem>> -> memref<1x128x32xf32, #tpu.memory_space<vmem>>
        %dma_start3A_185 = tpu.memref_squeeze %dma_start3A_184 : memref<1x128x32xf32, #tpu.memory_space<vmem>> -> memref<128x32xf32, #tpu.memory_space<vmem>>
        tpu.enqueue_dma source(%dma_start3A_185 : memref<128x32xf32, #tpu.memory_space<vmem>>) target(%dma_start3A_181 : memref<128x32xf32, #tpu.memory_space<hbm>>) target_semaphore(%arg9 : memref<!tpu.dma_semaphore, #tpu.memory_space<semaphore_mem>>)
      } else {
      }
      %scan3A_122 = arith.constant 0 : i32
      scf.yield %scan3A_122 : i32
    }
    %scan3A_16 = arith.constant 104 : i32
    %dma_wait3A = arith.constant 0 : i32
    %dma_wait3A_17 = arith.constant 1 : i32
    %dma_wait3A_18 = arith.constant 0 : i32
    %dma_wait3A_19 = arith.constant 0 : i32
    %dma_wait3A_20 = tpu.memref_slice %arg7[%dma_wait3A_17, %dma_wait3A_18, %dma_wait3A_19] : memref<2x128x32xf32, #tpu.memory_space<vmem>> -> memref<1x128x32xf32, #tpu.memory_space<vmem>>
    %dma_wait3A_21 = tpu.memref_squeeze %dma_wait3A_20 : memref<1x128x32xf32, #tpu.memory_space<vmem>> -> memref<128x32xf32, #tpu.memory_space<vmem>>
    %dma_wait3A_22 = arith.constant 0 : i32
    %dma_wait3A_23 = tpu.memref_slice %arg6[%dma_wait3A, %dma_wait3A_22] : memref<26x512xi32, #tpu.memory_space<vmem>> -> memref<1x128xi32, #tpu.memory_space<vmem>>
    %dma_wait3A_24 = tpu.memref_squeeze %dma_wait3A_23 : memref<1x128xi32, #tpu.memory_space<vmem>> -> memref<128xi32, #tpu.memory_space<vmem>>
    %dma_wait3A_25 = arith.constant 0 : i32
    %dma_wait3A_26 = arith.constant 0 : i32
    %dma_wait3A_27 = tpu.memref_slice %arg3[%dma_wait3A_25, %dma_wait3A_26] : memref<2600000x32xf32, #tpu.memory_space<hbm>> -> memref<2600000x32xf32, #tpu.memory_space<hbm>>
    tpu.wait_indirect_dma semaphore(%arg8 : memref<!tpu.dma_semaphore, #tpu.memory_space<semaphore_mem>>) src(%dma_wait3A_27 : memref<2600000x32xf32, #tpu.memory_space<hbm>>) dst(%dma_wait3A_21 : memref<128x32xf32, #tpu.memory_space<vmem>>)
    %add3A_28 = arith.constant 384 : i32
    %add3A_29 = arith.addi %mul3A_2, %add3A_28 : i32
    %dma_start3A = arith.constant 1 : i32
    %dma_start3A_30 = arith.constant 25 : i32
    %dma_start3A_31 = arith.constant 0 : i32
    %dma_start3A_32 = arith.constant 0 : i32
    %dma_start3A_33 = tpu.memref_slice %arg7[%dma_start3A, %dma_start3A_31, %dma_start3A_32] : memref<2x128x32xf32, #tpu.memory_space<vmem>> -> memref<1x128x32xf32, #tpu.memory_space<vmem>>
    %dma_start3A_34 = tpu.memref_squeeze %dma_start3A_33 : memref<1x128x32xf32, #tpu.memory_space<vmem>> -> memref<128x32xf32, #tpu.memory_space<vmem>>
    %dma_start3A_35 = arith.constant 0 : i32
    %dma_start3A_36 = tpu.memref_slice %arg4[%add3A_29, %dma_start3A_30, %dma_start3A_35] : memref<16384x40x128xf32, #tpu.memory_space<hbm>> -> memref<128x1x32xf32, #tpu.memory_space<hbm>>
    %dma_start3A_37 = tpu.memref_squeeze %dma_start3A_36 : memref<128x1x32xf32, #tpu.memory_space<hbm>> -> memref<128x32xf32, #tpu.memory_space<hbm>>
    %dma_start3A_38 = arith.constant 0 : i32
    %dma_start3A_39 = tpu.memref_slice %arg4[%add3A_29, %dma_start3A_30, %dma_start3A_38] : memref<16384x40x128xf32, #tpu.memory_space<hbm>> -> memref<128x1x32xf32, #tpu.memory_space<hbm>>
    %dma_start3A_40 = tpu.memref_squeeze %dma_start3A_39 : memref<128x1x32xf32, #tpu.memory_space<hbm>> -> memref<128x32xf32, #tpu.memory_space<hbm>>
    %dma_start3A_41 = arith.constant 0 : i32
    %dma_start3A_42 = arith.constant 0 : i32
    %dma_start3A_43 = tpu.memref_slice %arg7[%dma_start3A, %dma_start3A_41, %dma_start3A_42] : memref<2x128x32xf32, #tpu.memory_space<vmem>> -> memref<1x128x32xf32, #tpu.memory_space<vmem>>
    %dma_start3A_44 = tpu.memref_squeeze %dma_start3A_43 : memref<1x128x32xf32, #tpu.memory_space<vmem>> -> memref<128x32xf32, #tpu.memory_space<vmem>>
    tpu.enqueue_dma source(%dma_start3A_44 : memref<128x32xf32, #tpu.memory_space<vmem>>) target(%dma_start3A_40 : memref<128x32xf32, #tpu.memory_space<hbm>>) target_semaphore(%arg9 : memref<!tpu.dma_semaphore, #tpu.memory_space<semaphore_mem>>)
    %add3A_45 = arith.constant 256 : i32
    %add3A_46 = arith.addi %mul3A_2, %add3A_45 : i32
    %dma_wait3A_47 = arith.constant 0 : i32
    %dma_wait3A_48 = arith.constant 25 : i32
    %dma_wait3A_49 = arith.constant 0 : i32
    %dma_wait3A_50 = arith.constant 0 : i32
    %dma_wait3A_51 = tpu.memref_slice %arg7[%dma_wait3A_47, %dma_wait3A_49, %dma_wait3A_50] : memref<2x128x32xf32, #tpu.memory_space<vmem>> -> memref<1x128x32xf32, #tpu.memory_space<vmem>>
    %dma_wait3A_52 = tpu.memref_squeeze %dma_wait3A_51 : memref<1x128x32xf32, #tpu.memory_space<vmem>> -> memref<128x32xf32, #tpu.memory_space<vmem>>
    %dma_wait3A_53 = arith.constant 0 : i32
    %dma_wait3A_54 = tpu.memref_slice %arg4[%add3A_46, %dma_wait3A_48, %dma_wait3A_53] : memref<16384x40x128xf32, #tpu.memory_space<hbm>> -> memref<128x1x32xf32, #tpu.memory_space<hbm>>
    %dma_wait3A_55 = tpu.memref_squeeze %dma_wait3A_54 : memref<128x1x32xf32, #tpu.memory_space<hbm>> -> memref<128x32xf32, #tpu.memory_space<hbm>>
    %dma_wait3A_56 = arith.constant 0 : i32
    %dma_wait3A_57 = tpu.memref_slice %arg4[%add3A_46, %dma_wait3A_48, %dma_wait3A_56] : memref<16384x40x128xf32, #tpu.memory_space<hbm>> -> memref<128x1x32xf32, #tpu.memory_space<hbm>>
    %dma_wait3A_58 = tpu.memref_squeeze %dma_wait3A_57 : memref<128x1x32xf32, #tpu.memory_space<hbm>> -> memref<128x32xf32, #tpu.memory_space<hbm>>
    %dma_wait3A_59 = arith.constant 0 : i32
    %dma_wait3A_60 = arith.constant 0 : i32
    %dma_wait3A_61 = tpu.memref_slice %arg7[%dma_wait3A_47, %dma_wait3A_59, %dma_wait3A_60] : memref<2x128x32xf32, #tpu.memory_space<vmem>> -> memref<1x128x32xf32, #tpu.memory_space<vmem>>
    %dma_wait3A_62 = tpu.memref_squeeze %dma_wait3A_61 : memref<1x128x32xf32, #tpu.memory_space<vmem>> -> memref<128x32xf32, #tpu.memory_space<vmem>>
    tpu.wait_dma2 semaphore(%arg9 : memref<!tpu.dma_semaphore, #tpu.memory_space<semaphore_mem>>) src(%dma_wait3A_62 : memref<128x32xf32, #tpu.memory_space<vmem>>) dst(%dma_wait3A_58 : memref<128x32xf32, #tpu.memory_space<hbm>>)
    %add3A_63 = arith.constant 384 : i32
    %add3A_64 = arith.addi %mul3A_2, %add3A_63 : i32
    %dma_wait3A_65 = arith.constant 1 : i32
    %dma_wait3A_66 = arith.constant 25 : i32
    %dma_wait3A_67 = arith.constant 0 : i32
    %dma_wait3A_68 = arith.constant 0 : i32
    %dma_wait3A_69 = tpu.memref_slice %arg7[%dma_wait3A_65, %dma_wait3A_67, %dma_wait3A_68] : memref<2x128x32xf32, #tpu.memory_space<vmem>> -> memref<1x128x32xf32, #tpu.memory_space<vmem>>
    %dma_wait3A_70 = tpu.memref_squeeze %dma_wait3A_69 : memref<1x128x32xf32, #tpu.memory_space<vmem>> -> memref<128x32xf32, #tpu.memory_space<vmem>>
    %dma_wait3A_71 = arith.constant 0 : i32
    %dma_wait3A_72 = tpu.memref_slice %arg4[%add3A_64, %dma_wait3A_66, %dma_wait3A_71] : memref<16384x40x128xf32, #tpu.memory_space<hbm>> -> memref<128x1x32xf32, #tpu.memory_space<hbm>>
    %dma_wait3A_73 = tpu.memref_squeeze %dma_wait3A_72 : memref<128x1x32xf32, #tpu.memory_space<hbm>> -> memref<128x32xf32, #tpu.memory_space<hbm>>
    %dma_wait3A_74 = arith.constant 0 : i32
    %dma_wait3A_75 = tpu.memref_slice %arg4[%add3A_64, %dma_wait3A_66, %dma_wait3A_74] : memref<16384x40x128xf32, #tpu.memory_space<hbm>> -> memref<128x1x32xf32, #tpu.memory_space<hbm>>
    %dma_wait3A_76 = tpu.memref_squeeze %dma_wait3A_75 : memref<128x1x32xf32, #tpu.memory_space<hbm>> -> memref<128x32xf32, #tpu.memory_space<hbm>>
    %dma_wait3A_77 = arith.constant 0 : i32
    %dma_wait3A_78 = arith.constant 0 : i32
    %dma_wait3A_79 = tpu.memref_slice %arg7[%dma_wait3A_65, %dma_wait3A_77, %dma_wait3A_78] : memref<2x128x32xf32, #tpu.memory_space<vmem>> -> memref<1x128x32xf32, #tpu.memory_space<vmem>>
    %dma_wait3A_80 = tpu.memref_squeeze %dma_wait3A_79 : memref<1x128x32xf32, #tpu.memory_space<vmem>> -> memref<128x32xf32, #tpu.memory_space<vmem>>
    tpu.wait_dma2 semaphore(%arg9 : memref<!tpu.dma_semaphore, #tpu.memory_space<semaphore_mem>>) src(%dma_wait3A_80 : memref<128x32xf32, #tpu.memory_space<vmem>>) dst(%dma_wait3A_76 : memref<128x32xf32, #tpu.memory_space<hbm>>)
    return
  }
}

module attributes {stable_mosaic.version = 14 : i64} {
  func.func @_tc_sweep_body(%arg0: i32, %arg1: memref<256x13xf32, #tpu.memory_space<vmem>>, %arg2: memref<13x32xf32, #tpu.memory_space<vmem>>, %arg3: memref<13x32xf32, #tpu.memory_space<vmem>>, %arg4: memref<13x32xf32, #tpu.memory_space<vmem>>, %arg5: memref<13x32xf32, #tpu.memory_space<vmem>>, %arg6: memref<40x128xf32, #tpu.memory_space<vmem>>, %arg7: memref<256x40x128xf32, #tpu.memory_space<vmem>>, %arg8: memref<256x40x128xf32, #tpu.memory_space<vmem>>) attributes {dimension_semantics = [#tpu.dimension_semantics<arbitrary>], iteration_bounds = array<i64: 64>, scalar_prefetch = 0 : i64, scratch_operands = 0 : i64, tpu.core_type = #tpu.core_type<tc>, window_params = [{transform_indices = @transform_0, window_bounds = array<i64: 256, 13>}, {pipeline_mode = #tpu.pipeline_mode<synchronous>, transform_indices = @transform_1, window_bounds = array<i64: 13, 32>}, {pipeline_mode = #tpu.pipeline_mode<synchronous>, transform_indices = @transform_2, window_bounds = array<i64: 13, 32>}, {pipeline_mode = #tpu.pipeline_mode<synchronous>, transform_indices = @transform_3, window_bounds = array<i64: 13, 32>}, {pipeline_mode = #tpu.pipeline_mode<synchronous>, transform_indices = @transform_4, window_bounds = array<i64: 13, 32>}, {pipeline_mode = #tpu.pipeline_mode<synchronous>, transform_indices = @transform_5, window_bounds = array<i64: 40, 128>}, {transform_indices = @transform_6, window_bounds = array<i64: 256, 40, 128>}, {transform_indices = @transform_7, window_bounds = array<i64: 256, 40, 128>}]} {
    %get3A = arith.constant 0 : index
    %get3A_0 = arith.constant 0 : index
    %get3A_1 = arith.constant 0 : index
    %get3A_2 = vector.load %arg7[%get3A, %get3A_0, %get3A_1] : memref<256x40x128xf32, #tpu.memory_space<vmem>>, vector<256x40x128xf32>
    %get3A_3 = arith.constant 0 : index
    %get3A_4 = arith.constant 0 : index
    %get3A_5 = vector.load %arg6[%get3A_3, %get3A_4] : memref<40x128xf32, #tpu.memory_space<vmem>>, vector<40x128xf32>
    %slice3A = vector.extract_strided_slice %get3A_2 {offsets = [0, 0, 0], sizes = [256, 26, 128], strides = [1, 1, 1]} : vector<256x40x128xf32> to vector<256x26x128xf32>
    %slice3A_6 = vector.extract_strided_slice %get3A_5 {offsets = [0, 0], sizes = [26, 128], strides = [1, 1]} : vector<40x128xf32> to vector<26x128xf32>
    %broadcast_in_dim3A = vector.shape_cast %slice3A_6 : vector<26x128xf32> to vector<1x26x128xf32>
    %add3A = vector.broadcast %broadcast_in_dim3A : vector<1x26x128xf32> to vector<256x26x128xf32>
    %add3A_7 = arith.addf %slice3A, %add3A : vector<256x26x128xf32>
    %get3A_8 = arith.constant 0 : index
    %get3A_9 = arith.constant 0 : index
    %get3A_10 = vector.load %arg1[%get3A_8, %get3A_9] : memref<256x13xf32, #tpu.memory_space<vmem>>, vector<256x13xf32>
    %get3A_11 = arith.constant 0 : index
    %get3A_12 = arith.constant 0 : index
    %get3A_13 = vector.load %arg2[%get3A_11, %get3A_12] : memref<13x32xf32, #tpu.memory_space<vmem>>, vector<13x32xf32>
    %get3A_14 = arith.constant 0 : index
    %get3A_15 = arith.constant 0 : index
    %get3A_16 = vector.load %arg3[%get3A_14, %get3A_15] : memref<13x32xf32, #tpu.memory_space<vmem>>, vector<13x32xf32>
    %broadcast_in_dim3A_17 = vector.shape_cast %get3A_10 : vector<256x13xf32> to vector<256x13x1xf32>
    %broadcast_in_dim3A_18 = vector.shape_cast %get3A_13 : vector<13x32xf32> to vector<1x13x32xf32>
    %mul3A = vector.broadcast %broadcast_in_dim3A_17 : vector<256x13x1xf32> to vector<256x13x32xf32>
    %mul3A_19 = vector.broadcast %broadcast_in_dim3A_18 : vector<1x13x32xf32> to vector<256x13x32xf32>
    %mul3A_20 = arith.mulf %mul3A, %mul3A_19 : vector<256x13x32xf32>
    %broadcast_in_dim3A_21 = vector.shape_cast %get3A_16 : vector<13x32xf32> to vector<1x13x32xf32>
    %add3A_22 = vector.broadcast %broadcast_in_dim3A_21 : vector<1x13x32xf32> to vector<256x13x32xf32>
    %add3A_23 = arith.addf %mul3A_20, %add3A_22 : vector<256x13x32xf32>
    %reduce_sum3A = arith.constant dense<0.000000e+00> : vector<256x13xf32>
    %reduce_sum3A_24 = vector.multi_reduction <add>, %add3A_23, %reduce_sum3A [2] : vector<256x13x32xf32> to vector<256x13xf32>
    %broadcast_in_dim3A_25 = vector.shape_cast %reduce_sum3A_24 : vector<256x13xf32> to vector<256x13x1xf32>
    %div3A = arith.constant 3.200000e+01 : f32
    %div3A_26 = vector.broadcast %div3A : f32 to vector<256x13x1xf32>
    %div3A_27 = arith.divf %broadcast_in_dim3A_25, %div3A_26 : vector<256x13x1xf32>
    %sub3A = vector.broadcast %div3A_27 : vector<256x13x1xf32> to vector<256x13x32xf32>
    %sub3A_28 = arith.subf %add3A_23, %sub3A : vector<256x13x32xf32>
    %sub3A_29 = vector.broadcast %div3A_27 : vector<256x13x1xf32> to vector<256x13x32xf32>
    %sub3A_30 = arith.subf %add3A_23, %sub3A_29 : vector<256x13x32xf32>
    %mul3A_31 = arith.mulf %sub3A_28, %sub3A_30 : vector<256x13x32xf32>
    %reduce_sum3A_32 = arith.constant dense<0.000000e+00> : vector<256x13xf32>
    %reduce_sum3A_33 = vector.multi_reduction <add>, %mul3A_31, %reduce_sum3A_32 [2] : vector<256x13x32xf32> to vector<256x13xf32>
    %broadcast_in_dim3A_34 = vector.shape_cast %reduce_sum3A_33 : vector<256x13xf32> to vector<256x13x1xf32>
    %div3A_35 = arith.constant 3.200000e+01 : f32
    %div3A_36 = vector.broadcast %div3A_35 : f32 to vector<256x13x1xf32>
    %div3A_37 = arith.divf %broadcast_in_dim3A_34, %div3A_36 : vector<256x13x1xf32>
    %sub3A_38 = vector.broadcast %div3A_27 : vector<256x13x1xf32> to vector<256x13x32xf32>
    %sub3A_39 = arith.subf %add3A_23, %sub3A_38 : vector<256x13x32xf32>
    %add3A_40 = arith.constant 9.99999974E-6 : f32
    %add3A_41 = vector.broadcast %add3A_40 : f32 to vector<256x13x1xf32>
    %add3A_42 = arith.addf %div3A_37, %add3A_41 : vector<256x13x1xf32>
    %rsqrt3A = math.rsqrt %add3A_42 : vector<256x13x1xf32>
    %mul3A_43 = vector.broadcast %rsqrt3A : vector<256x13x1xf32> to vector<256x13x32xf32>
    %mul3A_44 = arith.mulf %sub3A_39, %mul3A_43 : vector<256x13x32xf32>
    %get3A_45 = arith.constant 0 : index
    %get3A_46 = arith.constant 0 : index
    %get3A_47 = vector.load %arg4[%get3A_45, %get3A_46] : memref<13x32xf32, #tpu.memory_space<vmem>>, vector<13x32xf32>
    %broadcast_in_dim3A_48 = vector.shape_cast %get3A_47 : vector<13x32xf32> to vector<1x13x32xf32>
    %mul3A_49 = vector.broadcast %broadcast_in_dim3A_48 : vector<1x13x32xf32> to vector<256x13x32xf32>
    %mul3A_50 = arith.mulf %mul3A_44, %mul3A_49 : vector<256x13x32xf32>
    %get3A_51 = arith.constant 0 : index
    %get3A_52 = arith.constant 0 : index
    %get3A_53 = vector.load %arg5[%get3A_51, %get3A_52] : memref<13x32xf32, #tpu.memory_space<vmem>>, vector<13x32xf32>
    %broadcast_in_dim3A_54 = vector.shape_cast %get3A_53 : vector<13x32xf32> to vector<1x13x32xf32>
    %add3A_55 = vector.broadcast %broadcast_in_dim3A_54 : vector<1x13x32xf32> to vector<256x13x32xf32>
    %add3A_56 = arith.addf %mul3A_50, %add3A_55 : vector<256x13x32xf32>
    %max3A = arith.constant 0.000000e+00 : f32
    %max3A_57 = vector.broadcast %max3A : f32 to vector<256x13x32xf32>
    %max3A_58 = arith.maximumf %add3A_56, %max3A_57 : vector<256x13x32xf32>
    %slice3A_59 = vector.extract_strided_slice %get3A_5 {offsets = [26, 0], sizes = [13, 32], strides = [1, 1]} : vector<40x128xf32> to vector<13x32xf32>
    %broadcast_in_dim3A_60 = vector.shape_cast %slice3A_59 : vector<13x32xf32> to vector<1x13x32xf32>
    %add3A_61 = vector.broadcast %broadcast_in_dim3A_60 : vector<1x13x32xf32> to vector<256x13x32xf32>
    %add3A_62 = arith.addf %max3A_58, %add3A_61 : vector<256x13x32xf32>
    %broadcast_in_dim3A_63 = arith.constant 0.000000e+00 : f32
    %broadcast_in_dim3A_64 = vector.broadcast %broadcast_in_dim3A_63 : f32 to vector<256x13x96xf32>
    %concatenate3A = tpu.concatenate %add3A_62, %broadcast_in_dim3A_64 in 2 : vector<256x13x32xf32>, vector<256x13x96xf32> -> vector<256x13x128xf32>
    %slice3A_65 = vector.extract_strided_slice %get3A_2 {offsets = [0, 39, 0], sizes = [256, 1, 128], strides = [1, 1, 1]} : vector<256x40x128xf32> to vector<256x1x128xf32>
    %concatenate3A_66 = tpu.concatenate %add3A_7, %concatenate3A, %slice3A_65 in 1 : vector<256x26x128xf32>, vector<256x13x128xf32>, vector<256x1x128xf32> -> vector<256x40x128xf32>
    %swap3A = arith.constant 0 : index
    %swap3A_67 = arith.constant 0 : index
    %swap3A_68 = arith.constant 0 : index
    %swap3A_69 = vector.load %arg8[%swap3A, %swap3A_67, %swap3A_68] : memref<256x40x128xf32, #tpu.memory_space<vmem>>, vector<256x40x128xf32>
    tpu.vector_store %arg8[%swap3A, %swap3A_67, %swap3A_68], %concatenate3A_66 {strides = array<i32>} : memref<256x40x128xf32, #tpu.memory_space<vmem>>, vector<256x40x128xf32>,
    return
  }
  func.func @transform_0(%arg0: i32) -> (i32, i32) {
    %c0_i32 = arith.constant 0 : i32
    %c0_i32_0 = arith.constant 0 : i32
    return %arg0, %c0_i32 : i32, i32
  }
  func.func @transform_1(%arg0: i32) -> (i32, i32) {
    %c0_i32 = arith.constant 0 : i32
    %c0_i32_0 = arith.constant 0 : i32
    %c0_i32_1 = arith.constant 0 : i32
    return %c0_i32, %c0_i32_0 : i32, i32
  }
  func.func @transform_2(%arg0: i32) -> (i32, i32) {
    %c0_i32 = arith.constant 0 : i32
    %c0_i32_0 = arith.constant 0 : i32
    %c0_i32_1 = arith.constant 0 : i32
    return %c0_i32, %c0_i32_0 : i32, i32
  }
  func.func @transform_3(%arg0: i32) -> (i32, i32) {
    %c0_i32 = arith.constant 0 : i32
    %c0_i32_0 = arith.constant 0 : i32
    %c0_i32_1 = arith.constant 0 : i32
    return %c0_i32, %c0_i32_0 : i32, i32
  }
  func.func @transform_4(%arg0: i32) -> (i32, i32) {
    %c0_i32 = arith.constant 0 : i32
    %c0_i32_0 = arith.constant 0 : i32
    %c0_i32_1 = arith.constant 0 : i32
    return %c0_i32, %c0_i32_0 : i32, i32
  }
  func.func @transform_5(%arg0: i32) -> (i32, i32) {
    %c0_i32 = arith.constant 0 : i32
    %c0_i32_0 = arith.constant 0 : i32
    %c0_i32_1 = arith.constant 0 : i32
    return %c0_i32, %c0_i32_0 : i32, i32
  }
  func.func @transform_6(%arg0: i32) -> (i32, i32, i32) {
    %c0_i32 = arith.constant 0 : i32
    %c0_i32_0 = arith.constant 0 : i32
    %c0_i32_1 = arith.constant 0 : i32
    return %arg0, %c0_i32, %c0_i32_0 : i32, i32, i32
  }
  func.func @transform_7(%arg0: i32) -> (i32, i32, i32) {
    %c0_i32 = arith.constant 0 : i32
    %c0_i32_0 = arith.constant 0 : i32
    %c0_i32_1 = arith.constant 0 : i32
    return %arg0, %c0_i32, %c0_i32_0 : i32, i32, i32
  }
}

</mosaic_0001>

<sc_bundles>
// kernel: kernel.4.cloned.1.call-start
scs
__scs_entry_jumppad:
0x0: {  	(pc) =	sbr.rel $0x88, $3  }
0x1: {  	(tag) =	ssettag $0x0;
	lr =	simm.s32 $0x1  }
0x2: {  	[smem:$0x3F99] =	sst lr;
	_ =	strace $0xD0000000  }
0x3: {  	_ = 	snop  }
0x4: {  	_ = 	snop  }
0x5: {  	_ = 	snop  }
0x6: {  	_ = 	snop  }
0x7: {  	_ = 	snop  }
__scs_overlays_trampoline_lowered:
0x8: {  	[smem:$0x3FA8] =	sst s0  }
0x9: {  	[smem:$0x3FA9] =	sst s1  }
0xa: {  	[smem:$0x3FAA] =	sst s2  }
0xb: {  	[smem:$0x3FAB] =	sst s3  }
0xc: {  	[smem:$0x3FAC] =	sst s4  }
0xd: {  	[smem:$0x3FAD] =	sst s5  }
0xe: {  	[smem:$0x3FAE] =	sst s6  }
0xf: {  	[smem:$0x3FAF] =	sst s7  }
0x10: {  	[smem:$0x3FB0] =	sst s8  }
0x11: {  	[smem:$0x3FB1] =	sst s9;
	s0 =	simm.s32 @!p0 $0x0  }
0x12: {  	s1 =	sld [smem:$0x3F97];
	s0 =	simm.s32 @p0 $0x1  }
0x13: {  	[smem:$0x3FB2] =	sst s0;
	s0 =	simm.s32 @!p1 $0x0  }
0x14: {  	s2 =	sld [smem:$0x3F96];
	s0 =	simm.s32 @p1 $0x1  }
0x15: {  	[smem:$0x3FB3] =	sst s0;
	s0 =	simm.s32 @!p2 $0x0  }
0x16: {  	s3 =	sld [smem:$0x3FDB];
	s0 =	simm.s32 @p2 $0x1  }
0x17: {  	s4 =	simm.s32 $0x1BF5;
	[smem:$0x3FB5] =	sst s0  }
0x18: {  	s0 =	sld [smem:$0x3F98];
	_ =	swait.ge [sflag:s4], $0x0  }
0x19: {  	s7 =	sld [smem:$0x3F99]  }
0x1a: {  	s8 =	sadd.s32 $0xFFFFE003, lr  }
0x1b: {  	s9 =	sadd.s32 $0xFFFFFEF7, lr;
	s5 =	simm.s32 $0xFFFFFFFF;
	p2 =	slt.u32 s8, $0xFFFFF086  }
0x1c: {  	p1 =	slt.u32 s9, $0xF7A;
	s5 =	simm.s32 @!p2 $0x0  }
0x1d: {  	s5 =	simm.s32 @p1 $0x1;
	p0 =	seq.s32 s7, s2  }
0x1e: {  	s7 =	smul.u32 @!p0 $0xF7A, s2;
	p2 =	seq.s32 @!p0 s5, $0x0  }
0x1f: {  	s9 =	smul.u32 $0xF7A, s1;
	s8 =	simm.s32 @!p0 $0x1BF5;
	p2 =	por !p2, p0  }
0x20: {  	[sflag:s8] =	ssyncset.s32 @!p0 $0xFFFFF086;
	s6 =	sadd.s32 @!p0 s3, s7;
	s7 =	simm.s32 @!p0 $0x108  }
0x21: {  	s3 =	sadd.s32 s3, s9;
	s6 =	sadd.s32 @!p0 $0x88, s6;
	s7 =	simm.s32 @p2 $0x1082  }
0x22: {  	[simem:s7], [sflag:s8] =	dma.local @!p0 [hbm:s6], $0xF7A  }
0x23: {  	s9 =	sor.u32 $0xD0000000, s2;
	s6 =	simm.s32 $0x108;
	_ =	swait.ge @!p0 [sflag:s8], $0x0  }
0x24: {  	s3 =	sadd.s32 $0x88, s3;
	s6 =	simm.s32 @!p1 $0x1082;
	[sflag:s4] =	ssyncset.s32 $0xFFFFF086  }
0x25: {  	[simem:s6], [sflag:s4] =	dma.local [hbm:s3], $0xF7A  }
0x26: {  	[smem:$0x3F99] =	sst s1;
	(tag) =	ssettag s2;
	_ =	strace s9  }
0x27: {  	s1 =	sld [smem:$0x3FA9]  }
0x28: {  	s2 =	sld [smem:$0x3FAA]  }
0x29: {  	s4 =	sld [smem:$0x3FAC]  }
0x2a: {  	p0 =	seq.s32 s5, $0x0;
	s5 =	sld [smem:$0x3FAD]  }
0x2b: {  	s6 =	sld [smem:$0x3FAE]  }
0x2c: {  	s7 =	sld [smem:$0x3FAF]  }
0x2d: {  	s3 =	simm.s32 $0x108;
	s8 =	sld [smem:$0x3FB0]  }
0x2e: {  	s3 =	simm.s32 @!p0 $0x1082;
	s9 =	sld [smem:$0x3FB1]  }
0x2f: {  	lr =	sadd.s32 s0, s3;
	s0 =	sld [smem:$0x3FA8]  }
0x30: {  	s3 =	sld [smem:$0x3FAB]  }
0x31: {  	[smem:$0x3FB4] =	sst s10  }
0x32: {  	s10 =	sld [smem:$0x3FB2];
	_ =	sdelay $0x3  }
0x33: {  	p0 =	seq.s32 s10, $0x1;
	s10 =	sld [smem:$0x3FB4];
	_ =	sdelay $0x3  }
0x34: {  	[smem:$0x3FB4] =	sst s10  }
0x35: {  	s10 =	sld [smem:$0x3FB3];
	_ =	sdelay $0x3  }
0x36: {  	p1 =	seq.s32 s10, $0x1;
	s10 =	sld [smem:$0x3FB4];
	_ =	sdelay $0x3  }
0x37: {  	[smem:$0x3FB4] =	sst s10  }
0x38: {  	s10 =	sld [smem:$0x3FB5]  }
0x39: {  	_ = 	snop;
	(pc) =	sbr.ind lr, $3  }
0x3a: {  	_ = 	snop  }
0x3b: {  	_ = 	snop  }
0x3c: {  	p2 =	seq.s32 s10, $0x1;
	s10 =	sld [smem:$0x3FB4]  }
0x3d: {  	_ =	shalt  }
0x3e: {  	_ =	shalt  }
0x3f: {  	_ =	shalt  }
0x40: {  	_ =	shalt  }
0x41: {  	_ =	shalt  }
0x42: {  	_ =	shalt  }
0x43: {  	_ =	shalt  }
0x44: {  	_ =	shalt  }
0x45: {  	_ =	shalt  }
0x46: {  	_ =	shalt  }
0x47: {  	_ =	shalt  }
0x48: {  	_ =	shalt  }
0x49: {  	_ =	shalt  }
0x4a: {  	_ =	shalt  }
0x4b: {  	_ =	shalt  }
0x4c: {  	_ =	shalt  }
0x4d: {  	_ =	shalt  }
0x4e: {  	_ =	shalt  }
0x4f: {  	_ =	shalt  }
0x50: {  	_ =	shalt  }
0x51: {  	_ =	shalt  }
0x52: {  	_ =	shalt  }
0x53: {  	_ =	shalt  }
0x54: {  	_ =	shalt  }
0x55: {  	_ =	shalt  }
0x56: {  	_ =	shalt  }
0x57: {  	_ =	shalt  }
0x58: {  	_ =	shalt  }
0x59: {  	_ =	shalt  }
0x5a: {  	_ =	shalt  }
0x5b: {  	_ =	shalt  }
0x5c: {  	_ =	shalt  }
0x5d: {  	_ =	shalt  }
0x5e: {  	_ =	shalt  }
0x5f: {  	_ =	shalt  }
0x60: {  	_ =	shalt  }
0x61: {  	_ =	shalt  }
0x62: {  	_ =	shalt  }
0x63: {  	_ =	shalt  }
0x64: {  	_ =	shalt  }
0x65: {  	_ =	shalt  }
0x66: {  	_ =	shalt  }
0x67: {  	_ =	shalt  }
0x68: {  	_ =	shalt  }
0x69: {  	_ =	shalt  }
0x6a: {  	_ =	shalt  }
0x6b: {  	_ =	shalt  }
0x6c: {  	_ =	shalt  }
0x6d: {  	_ =	shalt  }
0x6e: {  	_ =	shalt  }
0x6f: {  	_ =	shalt  }
0x70: {  	_ =	shalt  }
0x71: {  	_ =	shalt  }
0x72: {  	_ =	shalt  }
0x73: {  	_ =	shalt  }
0x74: {  	_ =	shalt  }
0x75: {  	_ =	shalt  }
0x76: {  	_ =	shalt  }
0x77: {  	_ =	shalt  }
0x78: {  	_ =	shalt  }
0x79: {  	_ =	shalt  }
0x7a: {  	_ =	shalt  }
0x7b: {  	_ =	shalt  }
0x7c: {  	_ =	shalt  }
0x7d: {  	_ =	shalt  }
0x7e: {  	_ =	shalt  }
0x7f: {  	_ =	shalt  }
0x80: {  	_ =	shalt  }
0x81: {  	_ =	shalt  }
0x82: {  	_ =	shalt  }
0x83: {  	_ =	shalt  }
0x84: {  	_ =	shalt  }
0x85: {  	_ =	shalt  }
0x86: {  	_ =	shalt  }
0x87: {  	_ =	shalt  }
.Lfunc_end0:
.L_simem_size_0:
called_computation.1_lowered:
.L_overlay_start_0:
0x88: {  	s2 =	sld [smem:$0x3FD9]  }
0x89: {  	s3 =	sld [smem:$0x3FFE];
	_ =	sdelay $0x1  }
0x8a: {  	s1 =	srdreg.scid  }
0x8b: {  	s0 =	sand.u32 $0x1, s1  }
0x8c: {  	s17 =	sshll.u32 s0, $0xA;
	s2 =	sadd.s32 s3, s2  }
0x8d: {  	s2 =	sadd.s32 s2, s17  }
0x8e: {  	[smem:$0x3FC0] =	sst s2  }
0x8f: {  	_ = 	snop  }
0x90: {  	s2 =	sld [smem:$0x3FD0];
	(tm) =	ssettm $0x1  }
0x91: {  	s18 =	sld [smem:$0x3FFB];
	_ =	sdelay $0x3  }
0x92: {  	_ =	strace s18  }
0x93: {  	s3 =	sld [smem:$0x3FFC];
	_ =	sdelay $0x3  }
0x94: {  	_ =	strace s3  }
0x95: {  	s3 =	sld [smem:$0x3FFD];
	_ =	sdelay $0x3  }
0x96: {  	_ =	strace s3  }
0x97: {  	_ =	strace $0x8FFFFFFF  }
0x98: {  	s19 =	sld [smem:$0x3FDB];
	_ =	sdelay $0x1  }
0x99: {  	s4 =	simm.s32 $_scs_section_size  }
0x9a: {  	s5 =	simm.s32 $_size__tile_overlayer_lowered;
	s6 =	simm.s32 $_tile_overlayer_lowered  }
0x9b: {  	s22 =	simm.s32 $0x1BFF;
	s21 =	sshll.u32 s6, $0x1;
	s3 =	sadd.s32 s4, s19  }
0x9c: {  	s7 =	simm.s32 $0x0;
	s20 =	sshll.u32 s5, $0x1;
	s5 =	sadd.s32 s21, s3  }
0x9d: {  	[timem:s7], [sflag:s22] =	dma.local [hbm:s5], s20  }
0x9e: {  	_ =	swait.ge [sflag:s22], s20  }
0x9f: {  	s4 =	ssub.s32 $0x0, s20;
	[sflag:s22] =	ssyncset.done $0x0  }
0xa0: {  	[sflag:s22] =	ssyncadd.s32 s4;
	_ =	sdelay $0x1  }
0xa1: {  	s23 =	simm.s32 $0x1B8B  }
0xa2: {  	_ =	swait.ge [sflag:s23], $0x1  }
0xa3: {  	[sflag:s23] =	ssyncset.done $0x0  }
0xa4: {  	s25 =	simm.s32 $0x1B8E;
	s24 =	sld [smem:$0x3FFE];
	[sflag:s23] =	ssyncadd.s32 $0xFFFFFFFF  }
0xa5: {  	s26 =	simm.s32 $execute0_lowered;
	[smem:$0x3FD2] =	sst s25  }
0xa6: {  	s5 =	sshll.u32 s26, $0x1;
	_ =	strace $0x80000046;
	[dreg:$0x1] =	wrdreg $0xFFFFFFFF  }
0xa7: {  	s28 =	simm.s32 $_size_execute0_lowered;
	s3 =	sadd.s32 s3, s5;
	[dreg:$0x0] =	wrdreg $0x0  }
0xa8: {  	s5 =	sshll.u32 s28, $0x1;
	[dreg:$0x2] =	wrdreg s3  }
0xa9: {  	[dreg:$0x3] =	wrdreg s5  }
0xaa: {  	[dreg:$0x4] =	wrdreg $0xC0  }
0xab: {  	_ =	task [dreg:s7], $0x5FFFF  }
0xac: {  	[dreg:$0x1] =	wrdreg $0xFFFFFFFF  }
0xad: {  	[dreg:$0x0] =	wrdreg $0x60  }
0xae: {  	[dreg:$0x2] =	wrdreg s2  }
0xaf: {  	[dreg:$0x3] =	wrdreg s24  }
0xb0: {  	[dreg:$0x4] =	wrdreg $0x9  }
0xb1: {  	_ =	task.clear_ibuf [dreg:s7], $0x5FFFF;
	_ =	strace $0x90000046  }
0xb2: {  	s29 =	simm.s32 $0x9;
	_ =	strace $0x80000048  }
0xb3: {  	_ =	swait.ge [sflag:s29], $0x1  }
0xb4: {  	[sflag:s29] =	ssyncadd.s32 $0xFFFFFFFF  }
0xb5: {  	_ =	strace $0x90000048  }
0xb6: {  	_ =	sfence  }
0xb7: {  	s30 =	sld [smem:$0x0];
	_ =	sdelay $0x2  }
0xb8: {  	s31 =	sshll.u32 s1, $0xD;
	s1 =	sshrl.u32 s1, $0x2  }
0xb9: {  	s3 =	sand.u32 $0x4000, s31;
	s1 =	sadd.s32 s1, s30  }
0xba: {  	s0 =	sor.u32 s3, s0;
	s1 =	sshll.u32 s1, $0x11  }
0xbb: {  	s0 =	sor.u32 s1, s0  }
0xbc: {  	s0 =	sadd.s32 $0x8F2B, s0  }
0xbd: {  	[sflag:s0] =	ssyncadd.remote.s32 $0x1  }
0xbe: {  	_ =	sfence.sel $0xFFFF  }
0xbf: {  	[dreg:$0x0] =	wrdreg $0xFFFFFFFF;
	(pc) =	sbr.abs _section_cstart, $3  }
0xc0: {  	[dreg:$0x1] =	wrdreg $0xFFFFFFFF  }
0xc1: {  	_ =	task.clear_ibuf [dreg:s7], $0x2FFFF;
	_ =	strace $0x9FFFFFFF  }
0xc2: {  	(tm) =	ssettm $0x7FFFFFFF  }
0xc3: {  	_ =	shalt  }
tec
execute0_lowered:
.L_overlay_start_1:
0x0: {  	(tag) =	ssettag $0x1  }
0x1: {  	s1 =	srdreg.scid;
	s6 =	rddreg [dreg:$0x0]  }
0x2: {  	s0 =	stileid.u32;
	s5 =	rddreg [dreg:$0x1];
	s2 =	simm.s32 $0x0  }
0x3: {  	s11 =	simm.s32 $0x80;
	s12 =	simm.s32 $0x4000;
	s13 =	simm.s32 $0x7400  }
0x4: {  	s14 =	simm.s32 $0x4080;
	s15 =	simm.s32 $0x8400;
	s16 =	simm.s32 $0x20  }
0x5: {  	s17 =	simm.s32 $0x1400;
	s18 =	simm.s32 $0x2;
	s4 =	sand.u32 $0x1, s1  }
0x6: {  	s19 =	simm.s32 $0x1;
	s3 =	sshll.u32 s0, $0xA;
	s7 =	sshll.u32 s4, $0x9  }
0x7: {  	s20 =	simm.s32 $0x0;
	[smem:$0x7FF] =	sst s2;
	s7 =	sor.u32 s7, s3  }
0x8: {  	_ =	strace $0x80000047;
	s8 =	ssub.s32 $0x2, s4;
	s9 =	smul.u32 $0x1400, s7  }
0x9: {  	s4 =	sadd.s32 $0x1600, s5;
	s3 =	sadd.s32 $0x27ADA00, s5;
	s31 =	sshrl.u32 s8, $0x1  }
0xa: {  	s8 =	ssub.s32 s8, s31;
	s7 =	sshll.u32 s7, $0x2;
	s10 =	sshrl.u32 s9, $0x3  }
0xb: {  	v0 =	vlaneseq.u32;
	s6 =	sadd.s32 s6, s7;
	s8 =	smax.u32 s8, $0x1;
	s5 =	sadd.s32 s4, s10  }
0xc: {  	v0 =	vmul.u32 $0x20, v0;
	s9 =	sadd.s32 $0xA0000, s9;
	s10 =	simm.s32 $0x3;
	s7 =	sadd.s32 $0x3C190, s5  }
.LBB2_1:
0xd: {  	s23 =	simm.s32 $0x0  }
0xe: {  	s29 =	sand.u32 $0x1F0, s2;
	v1 =	vmov s23  }
0xf: {  	v2 =	vmov s29;
	v1 =	vand.u32 $0x1F, v1  }
0x10: {  	v2 =	vshll.u32 v2, $0x5;
	v1 =	vbroadcast v1, $0x0  }
0x11: {  	v2 =	vor.u32 v0, v2  }
0x12: {  	v1 =	vor.u32 v1, v2  }
0x13: {  	[tilespmem:s2], [sflag:$0x3] =	stream.linear.gather [hbm4b:s6+s2], $0x4000, $0x38;
	[tilespmem:$0x9400] =	vst v63  }
0x14: {  	_ =	swait.ge [sflag:s10], $0x4000  }
0x15: {  	[sflag:s10] =	ssyncset.done $0x0  }
0x16: {  	s21 =	simm.s32 $0x10;
	s22 =	simm.s32 $0x0;
	[sflag:s10] =	ssyncadd.s32 $0xFFFFC000  }
0x17: {  	s21 =	sand.u32 $0x1F0, s21;
	v2 =	vld.idx.msk [tilespmem:v1+s2+$0x0], $0xffff;
	v1 =	vmov s22  }
0x18: {  	v3 =	vmov s21;
	v1 =	vand.u32 $0x1F, v1  }
0x19: {  	v3 =	vshll.u32 v3, $0x5;
	v1 =	vbroadcast v1, $0x0  }
0x1a: {  	v3 =	vor.u32 v0, v3  }
0x1b: {  	v1 =	vor.u32 v1, v3  }
0x1c: {  	s24 =	simm.s32 $0x1;
	s25 =	simm.s32 $0x0;
	s30 =	smul.u32 $0x186A0, s23  }
0x1d: {  	s26 =	simm.s32 $0x20;
	s28 =	simm.s32 $0x3;
	s31 =	sand.u32 $0x3FFFFE00, s25  }
0x1e: {  	s23 =	simm.s32 $0x2;
	s25 =	simm.s32 $0x0;
	s29 =	sor.u32 s29, s31;
	v2 =	vadd.s32 s30, v2  }
.LBB2_2:
0x1f: {  	p0 =	sne.s32 s28, $0x33F;
	v3 =	vmov s25;
	[tilespmem:s29+$0x4000] =	vst v2;
	s29 =	smov.u32 s21;
	s21 =	sand.u32 $0x1F0, s26  }
0x20: {  	s30 =	smov.u32 s23;
	s23 =	smov.u32 s28;
	v2 =	vmov s21;
	v3 =	vand.u32 $0x1F, v3;
	v4 =	vld.idx.msk [tilespmem:v1+s2+$0x0], $0xffff  }
0x21: {  	v1 =	vshll.u32 v2, $0x5;
	v2 =	vbroadcast v3, $0x0  }
.Ltmp0:
0x22: {  	v1 =	vor.u32 v0, v1;
	(pc) =	sbr.rel @p0 .LBB2_2-.Ltmp0, $4  }
0x23: {  	v1 =	vor.u32 v2, v1  }
0x24: {  	s31 =	smul.u32 $0x186A0, s22;
	s24 =	sshll.u32 s24, $0x4;
	s22 =	smov.u32 s25  }
0x25: {  	s26 =	sadd.s32 $0x10, s26;
	s1 =	sand.u32 $0x3FFFFE00, s24;
	s24 =	smov.u32 s30  }
0x26: {  	s28 =	sadd.s32 $0x1, s28;
	s25 =	sshrl.u32 s23, $0x5;
	s29 =	sor.u32 s29, s1;
	v2 =	vadd.s32 s31, v4  }
0x27: {  	_ =	sdelay $0x1  }
0x28: {  	s1 =	sand.u32 $0x1F0, s26;
	v3 =	vmov s25  }
0x29: {  	[tilespmem:s29+$0x4000] =	vst v2;
	v2 =	vmov s1;
	v3 =	vand.u32 $0x1F, v3  }
0x2a: {  	v1 =	vld.idx.msk [tilespmem:v1+s2+$0x0], $0xffff;
	v2 =	vshll.u32 v2, $0x5;
	v3 =	vbroadcast v3, $0x0  }
0x2b: {  	v2 =	vor.u32 v0, v2  }
0x2c: {  	v2 =	vor.u32 v3, v2  }
0x2d: {  	s22 =	smul.u32 $0x186A0, s22;
	s24 =	sshll.u32 s24, $0x4  }
0x2e: {  	s24 =	sand.u32 $0x3FFFFE00, s24  }
0x2f: {  	s21 =	sor.u32 s21, s24;
	v1 =	vadd.s32 s22, v1  }
0x30: {  	[tilespmem:s21+$0x4000] =	vst v1  }
0x31: {  	v1 =	vld.idx.msk [tilespmem:v2+s2+$0x0], $0xffff;
	_ =	sdelay $0x2  }
0x32: {  	s31 =	smul.u32 $0x186A0, s25;
	s24 =	sshll.u32 s23, $0x4  }
0x33: {  	s22 =	sand.u32 $0x3FFFFE00, s24  }
0x34: {  	s1 =	sor.u32 s1, s22;
	v1 =	vadd.s32 s31, v1  }
0x35: {  	[tilespmem:s1+$0x4000] =	vst v1  }
0x36: {  	[tilespmem:s13], [sflag:$0x1] =	stream.indirect.gather [hbm4b:s3+s11], $0x20, s12, s11, $0xb8;
	[tilespmem:$0x9400] =	vst v63  }
0x37: {  	s25 =	simm.s32 $0x1  }
0x38: {  	[tilespmem:s15], [sflag:$0x1] =	stream.indirect.gather [hbm4b:s3+s11], $0x20, s14, s11, $0xb8;
	[tilespmem:$0x9400] =	vst v63  }
0x39: {  	s26 =	simm.s32 $0x2000;
	_ =	swait.ge [sflag:s25], $0x1000  }
0x3a: {  	s29 =	simm.s32 $0x4100;
	s28 =	simm.s32 $0x0;
	[sflag:s25] =	ssyncset.done $0x0  }
0x3b: {  	s28 =	smul.u32 $0x27FF80, s28;
	s23 =	simm.s32 $0x2;
	[sflag:s25] =	ssyncadd.s32 $0xFFFFF000  }
0x3c: {  	[hbm4b:s5+s16] =	stream.strided.scatter [tilespmem:s13], [sflag:$0x2], $0x1000, s17, s16, $0x38;
	[tilespmem:$0x9400] =	vst v63  }
0x3d: {  	s30 =	ssub.s32 s9, s28;
	s24 =	simm.s32 $0x3000;
	_ =	swait.ge [sflag:s18], $0x1000  }
0x3e: {  	s21 =	simm.s32 $0x3;
	s1 =	sand.u32 $0x1000, s26;
	[sflag:s18] =	ssyncset.done $0x0  }
0x3f: {  	s31 =	simm.s32 $0x1000;
	s1 =	sadd.s32 $0x7400, s1;
	[sflag:s18] =	ssyncadd.s32 $0xFFFFF000  }
0x40: {  	[tilespmem:s1], [sflag:$0x1] =	stream.indirect.gather [hbm4b:s3+s11], $0x20, s29, s11, $0xb8;
	[tilespmem:$0x9400] =	vst v63  }
0x41: {  	s22 =	sadd.s32 $0xA0000, s9;
	s28 =	sand.u32 $0x1000, s31;
	_ =	swait.ge [sflag:s19], $0x1000  }
0x42: {  	s28 =	sadd.s32 $0x7400, s28;
	s1 =	sshrl.u32 s30, $0x3;
	[sflag:s19] =	ssyncset.done $0x0  }
0x43: {  	s25 =	simm.s32 $0x4180;
	s26 =	sadd.s32 s4, s1;
	[sflag:s19] =	ssyncadd.s32 $0xFFFFF000  }
.LBB2_4:
0x44: {  	[hbm4b:s26+s16] =	stream.strided.scatter [tilespmem:s28], [sflag:$0x2], $0x1000, s17, s16, $0x38;
	[tilespmem:$0x9400] =	vst v63  }
0x45: {  	p0 =	sne.s32 s21, $0x67;
	s21 =	sadd.s32 $0x1, s21;
	s1 =	smov.u32 s22  }
0x46: {  	s26 =	smov.u32 s23;
	s28 =	smov.u32 s24;
	s29 =	smov.u32 s25  }
0x47: {  	s22 =	sadd.s32 $0xA0000, s22;
	s23 =	sadd.s32 $0x1, s23;
	s24 =	sadd.s32 $0x1000, s24  }
0x48: {  	s25 =	sadd.s32 $0x80, s25;
	s26 =	sshrl.u32 s26, $0x2;
	_ =	swait.ge [sflag:s18], $0x1000  }
0x49: {  	s30 =	sand.u32 $0x1000, s28;
	s26 =	smul.u32 $0x27FF80, s26;
	[sflag:s18] =	ssyncset.done $0x0  }
.Ltmp1:
0x4a: {  	s30 =	sadd.s32 $0x7400, s30;
	[sflag:s18] =	ssyncadd.s32 $0xFFFFF000;
	(pc) =	sbr.rel @p0 .LBB2_4-.Ltmp1, $4  }
0x4b: {  	[tilespmem:s30], [sflag:$0x1] =	stream.indirect.gather [hbm4b:s3+s11], $0x20, s29, s11, $0xb8;
	[tilespmem:$0x9400] =	vst v63  }
0x4c: {  	s1 =	ssub.s32 s1, s26;
	s26 =	sadd.s32 $0xFFFFF000, s28;
	_ =	swait.ge [sflag:s19], $0x1000  }
0x4d: {  	s1 =	sshrl.u32 s1, $0x3;
	s28 =	sand.u32 $0x1000, s26;
	[sflag:s19] =	ssyncset.done $0x0  }
0x4e: {  	s26 =	sadd.s32 s4, s1;
	s28 =	sadd.s32 $0x7400, s28;
	[sflag:s19] =	ssyncadd.s32 $0xFFFFF000  }
0x4f: {  	[hbm4b:s26+s16] =	stream.strided.scatter [tilespmem:s28], [sflag:$0x2], $0x1000, s17, s16, $0x38;
	[tilespmem:$0x9400] =	vst v63  }
0x50: {  	_ =	swait.ge [sflag:s19], $0x1000  }
0x51: {  	[sflag:s19] =	ssyncset.done $0x0  }
0x52: {  	s20 =	sadd.s32 $0x1, s20;
	[sflag:s19] =	ssyncadd.s32 $0xFFFFF000  }
0x53: {  	[hbm4b:s7+s16] =	stream.strided.scatter [tilespmem:s15], [sflag:$0x2], $0x1000, s17, s16, $0x38;
	[tilespmem:$0x9400] =	vst v63  }
0x54: {  	p0 =	sne.s32 s20, s8;
	_ =	swait.ge [sflag:s18], $0x1000  }
.Ltmp2:
0x55: {  	[sflag:s18] =	ssyncset.done $0x0;
	(pc) =	sbr.rel @p0 .LBB2_1-.Ltmp2, $4  }
0x56: {  	[sflag:s18] =	ssyncadd.s32 $0xFFFFF000  }
0x57: {  	_ =	swait.ge [sflag:s18], $0x1000  }
0x58: {  	[sflag:s18] =	ssyncset.done $0x0  }
0x59: {  	[sflag:s18] =	ssyncadd.s32 $0xFFFFF000  }
0x5a: {  	_ =	sfence.sel $0x180000  }
0x5b: {  	[bflag:$0x0] =	sbarrier.arrive $0xFFFF  }
0x5c: {  	_ =	strace $0x90000047  }
0x5d: {  	[bflag:$0x2] =	sbarrier.arrive $0xFFFF  }
0x5e: {  	p0 =	sne.s32 s0, $0x0;
	s0 =	rddreg [dreg:$0x2]  }
0x5f: {  	s0 =	sadd.s32 @!p0 $0x100000, s0  }
0x60: {  	[sflag:s0] =	ssyncadd.tile.s32 @!p0 $0x1;
	_ =	shalt  }
.Lfunc_end2:
_tile_overlayer_lowered:
.L_overlay_start_2:
0x61: {  	(tag) =	ssettag $0x2  }
0x62: {  	s0 =	rddreg [dreg:$0x0];
	s2 =	stileid.u32  }
0x63: {  	s1 =	rddreg [dreg:$0x1];
	p0 =	sne.s32 s2, $0x0  }
0x64: {  	s3 =	rddreg [dreg:$0x2];
	[bflag:$0x3] =	sbarrier.arrive $0xFFFF;
	s2 =	simm.s32 @!p0 $0x1C03  }
0x65: {  	[timem:s3], [sflag:s2] =	dma.local @!p0 [hbm:s0], s1  }
0x66: {  	s0 =	simm.s32 @!p0 $0x3  }
0x67: {  	_ =	swait.ge @!p0 [sflag:s0], s1  }
0x68: {  	s1 =	ssub.s32 @!p0 $0x0, s1;
	[sflag:s0] =	ssyncset.done @!p0 $0x0  }
0x69: {  	[sflag:s0] =	ssyncadd.s32 @!p0 s1  }
0x6a: {  	[bflag:$0x3] =	sbarrier.arrive $0xFFFF  }
0x6b: {  	_ =	shalt  }

// kernel: sparse-core-data-format-call.cloned.1.call-start
scs
called_computation_lowered:
.L_overlay_start_0:
0x0: {  	s2 =	sld [smem:$0x3FD9]  }
0x1: {  	s3 =	sld [smem:$0x3FFE];
	_ =	sdelay $0x1  }
0x2: {  	s1 =	srdreg.scid  }
0x3: {  	s0 =	sand.u32 $0x1, s1  }
0x4: {  	s18 =	sshll.u32 s0, $0xA;
	s2 =	sadd.s32 s3, s2  }
0x5: {  	s2 =	sadd.s32 s2, s18  }
0x6: {  	[smem:$0x3FC0] =	sst s2  }
0x7: {  	_ = 	snop  }
0x8: {  	s2 =	sld [smem:$0x3FD0];
	(tm) =	ssettm $0x1  }
0x9: {  	s19 =	sld [smem:$0x3FFB];
	_ =	sdelay $0x3  }
0xa: {  	_ =	strace s19  }
0xb: {  	s3 =	sld [smem:$0x3FFC];
	_ =	sdelay $0x3  }
0xc: {  	_ =	strace s3  }
0xd: {  	s3 =	sld [smem:$0x3FFD];
	_ =	sdelay $0x3  }
0xe: {  	_ =	strace s3  }
0xf: {  	_ =	strace $0x8FFFFFFF  }
0x10: {  	s20 =	sld [smem:$0x3FDB];
	_ =	sdelay $0x1  }
0x11: {  	s4 =	simm.s32 $_scs_section_size  }
0x12: {  	s5 =	simm.s32 $_size__tile_overlayer_lowered;
	s6 =	simm.s32 $_tile_overlayer_lowered  }
0x13: {  	s23 =	simm.s32 $0x1BFF;
	s22 =	sshll.u32 s6, $0x1;
	s3 =	sadd.s32 s4, s20  }
0x14: {  	s7 =	simm.s32 $0x0;
	s21 =	sshll.u32 s5, $0x1;
	s5 =	sadd.s32 s22, s3  }
0x15: {  	[timem:s7], [sflag:s23] =	dma.local [hbm:s5], s21  }
0x16: {  	_ =	swait.ge [sflag:s23], s21  }
0x17: {  	s4 =	ssub.s32 $0x0, s21;
	[sflag:s23] =	ssyncset.done $0x0  }
0x18: {  	[sflag:s23] =	ssyncadd.s32 s4;
	_ =	sdelay $0x1  }
0x19: {  	s24 =	simm.s32 $0x1B8B  }
0x1a: {  	_ =	swait.ge [sflag:s24], $0x1  }
0x1b: {  	[sflag:s24] =	ssyncset.done $0x0  }
0x1c: {  	s26 =	simm.s32 $0x1B8E;
	s25 =	sld [smem:$0x3FFE];
	[sflag:s24] =	ssyncadd.s32 $0xFFFFFFFF  }
0x1d: {  	s27 =	simm.s32 $execute0_lowered;
	[smem:$0x3FD2] =	sst s26  }
0x1e: {  	s5 =	sshll.u32 s27, $0x1;
	_ =	strace $0x80000049;
	[dreg:$0x1] =	wrdreg $0xFFFFFFFF  }
0x1f: {  	s28 =	simm.s32 $_size_execute0_lowered;
	s3 =	sadd.s32 s3, s5;
	[dreg:$0x0] =	wrdreg $0x0  }
0x20: {  	s5 =	sshll.u32 s28, $0x1;
	[dreg:$0x2] =	wrdreg s3  }
0x21: {  	[dreg:$0x3] =	wrdreg s5  }
0x22: {  	[dreg:$0x4] =	wrdreg $0xC0  }
0x23: {  	_ =	task [dreg:s7], $0x5FFFF  }
0x24: {  	[dreg:$0x1] =	wrdreg $0xFFFFFFFF  }
0x25: {  	[dreg:$0x0] =	wrdreg $0x60  }
0x26: {  	[dreg:$0x2] =	wrdreg s25  }
0x27: {  	[dreg:$0x3] =	wrdreg s2  }
0x28: {  	[dreg:$0x4] =	wrdreg $0x9  }
0x29: {  	_ =	task.clear_ibuf [dreg:s7], $0x5FFFF;
	_ =	strace $0x90000049  }
0x2a: {  	s29 =	simm.s32 $0x9;
	_ =	strace $0x8000004B  }
0x2b: {  	_ =	swait.ge [sflag:s29], $0x1  }
0x2c: {  	[sflag:s29] =	ssyncadd.s32 $0xFFFFFFFF  }
0x2d: {  	_ =	strace $0x9000004B  }
0x2e: {  	_ =	sfence  }
0x2f: {  	s30 =	sld [smem:$0x0];
	_ =	sdelay $0x2  }
0x30: {  	s31 =	sshll.u32 s1, $0xD;
	s1 =	sshrl.u32 s1, $0x2  }
0x31: {  	s3 =	sand.u32 $0x4000, s31;
	s1 =	sadd.s32 s1, s30  }
0x32: {  	s0 =	sor.u32 s3, s0;
	s1 =	sshll.u32 s1, $0x11  }
0x33: {  	s0 =	sor.u32 s1, s0  }
0x34: {  	s0 =	sadd.s32 $0x8F2B, s0  }
0x35: {  	[sflag:s0] =	ssyncadd.remote.s32 $0x1  }
0x36: {  	_ =	sfence.sel $0xFFFF  }
0x37: {  	[dreg:$0x0] =	wrdreg $0xFFFFFFFF;
	(pc) =	sbr.abs _section_cstart, $3  }
0x38: {  	[dreg:$0x1] =	wrdreg $0xFFFFFFFF  }
0x39: {  	_ =	task.clear_ibuf [dreg:s7], $0x2FFFF;
	_ =	strace $0x9FFFFFFF  }
0x3a: {  	(tm) =	ssettm $0x7FFFFFFF  }
0x3b: {  	_ =	shalt  }
tec
execute0_lowered:
.L_overlay_start_1:
0x0: {  	(tag) =	ssettag $0x1  }
0x1: {  	s0 =	srdreg.scid  }
0x2: {  	s1 =	sshll.u32 s0, $0x4  }
0x3: {  	s0 =	stileid.u32;
	s1 =	sand.u32 $0x10, s1  }
0x4: {  	s1 =	sor.u32 s0, s1  }
0x5: {  	s6 =	rddreg [dreg:$0x0];
	s4 =	simm.s32 $0x1;
	s2 =	sshll.u32 s1, $0x7  }
0x6: {  	s7 =	simm.s32 $0x2;
	s12 =	simm.s32 $0x0;
	s1 =	ssub.s32 $0x4000, s2  }
0x7: {  	s8 =	simm.s32 $0x20000;
	s13 =	simm.s32 $0x0;
	s3 =	sand.u32 $0xF80, s1  }
0x8: {  	s9 =	simm.s32 $0x0;
	s5 =	sshrl.u32 s1, $0xC;
	p0 =	sne.s32 s3, $0x0  }
.Ltmp0:
0x9: {  	s1 =	rddreg [dreg:$0x2];
	s4 =	simm.s32 @!p0 $0x0;
	(pc) =	sbr.rel .LBB1_1-.Ltmp0, $4  }
0xa: {  	s11 =	simm.s32 $0x0;
	s3 =	rddreg [dreg:$0x1];
	s5 =	sadd.s32 s4, s5  }
0xb: {  	_ =	strace $0x8000004A;
	s4 =	simm.s32 $0x1;
	s5 =	smul.u32 $0x27, s5  }
0xc: {  	s6 =	sadd.s32 $0x1600, s6;
	s10 =	smov.u32 s2;
	[sflag:s4] =	ssyncpa.u1 $0x0  }
0xd: {  	p0 =	por $0x0, $0x0;
	[sflag:s7] =	ssyncpa.u1 $0x0;
	s7 =	sadd.s32 $0x1, s5  }
.LBB1_4:
0xe: {  	s16 =	sshll.u32 s13, $0x3;
	s17 =	sand.u32 $0x78, s13  }
0xf: {  	s30 =	sand.u32 $0xF800, s13;
	s12 =	sshll.u32 s12, $0x10;
	s16 =	sand.u32 $0x3C00, s16  }
0x10: {  	s31 =	sand.u32 $0x7, s13;
	s16 =	sor.u32 s17, s16;
	s17 =	sadd.s32 s3, s30  }
0x11: {  	s13 =	sshll.u32 s31, $0x12;
	s16 =	sshrl.u32 s16, $0x3;
	s12 =	sadd.s32 s12, s17  }
0x12: {  	[tilespmem:s15+$0x0 ss:$0x81] =	vst.msk $0xffff, v0;
	s13 =	sor.u32 $0x400, s13;
	s12 =	sadd.s32 s16, s12  }
0x13: {  	[hbm4b:s12+s13] =	stream.strided.scatter [tilespmem:s14], [sflag:$0x2], $0x1000, s8, s13, $0x20;
	[tilespmem:$0x4040] =	vst v63  }
.LBB1_5:
0x14: {  	s14 =	sadd.s32 $0x1, s9  }
0x15: {  	s12 =	sadd.s32 $0x1000, s10;
	s16 =	smov.u32 s10;
	p2 =	sgt.s32 s14, $0x26  }
0x16: {  	s16 =	smov.u32 @p2 s12  }
0x17: {  	s14 =	simm.s32 @p2 $0x0;
	p2 =	sgt.s32 s16, $0x3FFF  }
0x18: {  	s16 =	smov.u32 @p2 s2;
	p2 =	sne.s32 s11, s7  }
.Ltmp1:
0x19: {  	p1 =	slt.u32 s11, $0x2;
	(pc) =	sbr.rel @!p2 .LBB1_6-.Ltmp1, $4  }
0x1a: {  	s15 =	simm.s32 @!p1 $0x2  }
0x1b: {  	s13 =	smov.u32 s10;
	p0 =	por !p0, !p0;
	_ =	swait.ge @!p1 [sflag:s15], $0x1000  }
0x1c: {  	s12 =	smov.u32 s9;
	[sflag:s15] =	ssyncset.done @!p1 $0x0;
	s9 =	smov.u32 s14  }
0x1d: {  	s11 =	sadd.s32 $0x1, s11;
	[sflag:s15] =	ssyncadd.s32 @!p1 $0xFFFFF000;
	s10 =	smov.u32 s16  }
.LBB1_1:
0x1e: {  	p1 =	sge.u32 s11, s5  }
0x1f: {  	s14 =	sand.u32 @!p1 $0x1FFFFFF, s9  }
0x20: {  	s15 =	smulhi.u32 @!p1 $0x6666667, s14;
	_ =	sdelay $0x1  }
0x21: {  	s15 =	smul.u32 @!p1 $0x28, s15  }
0x22: {  	s16 =	sxor.u32 @!p1 $0xFFFFFFFF, s11;
	s17 =	smul.u32 @!p1 $0x280, s10  }
0x23: {  	s31 =	sadd.s32 $0xFFFFFFFF, s11;
	s16 =	sshll.u32 @!p1 s16, $0xC;
	s14 =	ssub.s32 @!p1 s14, s15  }
0x24: {  	s15 =	sand.u32 @!p1 $0x1000, s16;
	s16 =	sadd.s32 @!p1 s6, s17;
	s14 =	sshll.u32 @!p1 s14, $0x4  }
0x25: {  	s17 =	simm.s32 @!p1 $0x1400;
	s14 =	sadd.s32 @!p1 s14, s16;
	s16 =	simm.s32 @!p1 $0x20  }
0x26: {  	[tilespmem:s15], [sflag:$0x1] =	stream.strided.gather @!p1 [hbm4b:s14+s16], $0x1000, s17, s16, $0x38;
	[tilespmem:$0x4040] =	vst v63  }
0x27: {  	p1 =	sge.u32 s31, s5  }
.Ltmp2:
0x28: {  	_ = 	snop;
	(pc) =	sbr.rel @p1 .LBB1_5-.Ltmp2, $1  }
0x29: {  	_ =	sdelay $0x3  }
0x2a: {  	s14 =	simm.s32 $0x1  }
0x2b: {  	_ =	swait.ge [sflag:s4], $0x1000;
	s14 =	simm.s32 @!p0 $0x0  }
0x2c: {  	[sflag:s4] =	ssyncset.done $0x0;
	s15 =	sshll.u32 s14, $0xC  }
0x2d: {  	[sflag:s4] =	ssyncadd.s32 $0xFFFFF000;
	s18 =	sor.u32 $0x10, s15  }
0x2e: {  	s14 =	smul.u32 $0x4080, s14;
	v1 =	vld [tilespmem:s18+$0x0]  }
0x2f: {  	s30 =	sand.u32 $0x1, s11;
	v0 =	vld [tilespmem:s18+$0xFFFFFFF0]  }
0x30: {  	s15 =	smul.u32 $0x4080, s30;
	s14 =	sshrl.u32 s14, $0x2  }
0x31: {  	s16 =	sor.u32 $0x2000, s14  }
0x32: {  	s31 =	sshrl.u32 s15, $0x2;
	s15 =	sadd.s32 $0x0, s16  }
0x33: {  	s17 =	simm.s32 $0x4;
	s18 =	sadd.s32 $0x20, s18;
	s14 =	sor.u32 $0x2000, s31;
	[tilespmem:s15+$0x810 ss:$0x81] =	vst.msk $0xffff, v1  }
.LBB1_3:
0x34: {  	v1 =	vld [tilespmem:s18+$0x0];
	p1 =	sne.s32 s17, $0x1FC;
	[tilespmem:s15+$0x0 ss:$0x81] =	vst.msk $0xffff, v0;
	s15 =	smov.u32 s17;
	s17 =	sadd.s32 $0x4, s17  }
.Ltmp3:
0x35: {  	v0 =	vld [tilespmem:s18+$0xFFFFFFF0];
	(pc) =	sbr.rel @p1 .LBB1_3-.Ltmp3, $4  }
0x36: {  	_ = 	snop  }
0x37: {  	s15 =	sshra.s32 s15, $0x2  }
0x38: {  	s15 =	sadd.s32 s15, s16  }
0x39: {  	s18 =	sadd.s32 $0x20, s18;
	[tilespmem:s15+$0x810 ss:$0x81] =	vst.msk $0xffff, v1  }
.Ltmp4:
0x3a: {  	_ = 	snop;
	(pc) =	sbr.rel .LBB1_4-.Ltmp4, $1  }
0x3b: {  	_ =	sdelay $0x3  }
.LBB1_6:
0x3c: {  	_ =	sfence.sel $0x180000  }
0x3d: {  	s2 =	simm.s32 $0x1;
	[bflag:$0x0] =	sbarrier.arrive $0xFFFF  }
0x3e: {  	s31 =	simm.s32 $0x2;
	[sflag:s2] =	ssyncpa.u1 $0x1  }
0x3f: {  	[sflag:s31] =	ssyncpa.u1 $0x1  }
0x40: {  	p0 =	sne.s32 s0, $0x0;
	_ =	strace $0x9000004A  }
0x41: {  	s0 =	sadd.s32 @!p0 $0x100000, s1;
	[bflag:$0x2] =	sbarrier.arrive $0xFFFF  }
0x42: {  	[sflag:s0] =	ssyncadd.tile.s32 @!p0 $0x1;
	_ =	shalt  }
.Lfunc_end1:
_tile_overlayer_lowered:
.L_overlay_start_2:
0x43: {  	(tag) =	ssettag $0x2  }
0x44: {  	s0 =	rddreg [dreg:$0x0];
	s2 =	stileid.u32  }
0x45: {  	s1 =	rddreg [dreg:$0x1];
	p0 =	sne.s32 s2, $0x0  }
0x46: {  	s3 =	rddreg [dreg:$0x2];
	[bflag:$0x3] =	sbarrier.arrive $0xFFFF;
	s2 =	simm.s32 @!p0 $0x1C01  }
0x47: {  	[timem:s3], [sflag:s2] =	dma.local @!p0 [hbm:s0], s1  }
0x48: {  	s0 =	simm.s32 @!p0 $0x1  }
0x49: {  	_ =	swait.ge @!p0 [sflag:s0], s1  }
0x4a: {  	s1 =	ssub.s32 @!p0 $0x0, s1;
	[sflag:s0] =	ssyncset.done @!p0 $0x0  }
0x4b: {  	[sflag:s0] =	ssyncadd.s32 @!p0 s1  }
0x4c: {  	[bflag:$0x3] =	sbarrier.arrive $0xFFFF  }
0x4d: {  	_ =	shalt  }

</sc_bundles>
